<compile_context>
chip_gen: v7x
topology: tpu7x:2x2x1
jax: 0.10.2.dev20260603
libtpu: 0.0.44.dev20260713+nightly
codegen_flags: <defaults>
</compile_context>

<pallas_src>
import functools

import jax
import jax.numpy as jnp
from jax import lax
from jax.experimental import pallas as pl
from jax.experimental.pallas import tpu as pltpu
from jax.experimental.pallas import tpu_sc as plsc

BATCH = 1024
SEQ = 200
EMB = 64
NLANE = 16
NW = 32
PER_W = BATCH * SEQ // NW
C = 100
NCHUNK = PER_W // C
BLK = SEQ
NB = PER_W // BLK
GPB = BLK // C


def _sc_embed(idx2d, off2d, table2, pos):
    mesh = plsc.VectorSubcoreMesh(core_axis_name="c", subcore_axis_name="s")

    @functools.partial(
        pl.kernel,
        mesh=mesh,
        compiler_params=pltpu.CompilerParams(use_tc_tiling_on_sc=False),
        out_type=jax.ShapeDtypeStruct((BATCH * SEQ, EMB), jnp.float32),
        scratch_types=[
            pltpu.VMEM((NCHUNK, C), jnp.int32),
            pltpu.VMEM((BLK, NLANE), jnp.float32),
            pltpu.VMEM((BLK, NLANE), jnp.float32),
            pltpu.VMEM((BLK, 2 * EMB), jnp.float32),
            pltpu.VMEM((BLK, 2 * EMB), jnp.float32),
            pltpu.VMEM((BLK, EMB), jnp.float32),
            pltpu.VMEM((BLK, EMB), jnp.float32),
            pltpu.VMEM((SEQ, EMB), jnp.float32),
            pltpu.SemaphoreType.DMA,
            pltpu.SemaphoreType.DMA,
            pltpu.SemaphoreType.DMA,
            pltpu.SemaphoreType.DMA,
        ],
    )
    def k(idx_hbm, off_hbm, table_hbm, pos_hbm, out_hbm, idx_v, p0, p1,
          buf0, buf1, ob0, ob1, pos_v, gsem0, gsem1, osem0, osem1):
        wid = lax.axis_index("s") * 2 + lax.axis_index("c")
        base = wid * PER_W
        pltpu.sync_copy(pos_hbm, pos_v)
        pltpu.sync_copy(idx_hbm.at[pl.ds(wid * NCHUNK, NCHUNK)], idx_v)

        def fire_gathers(b, buf, pbuf, sem):
            for j in range(GPB):
                pltpu.async_copy(
                    table_hbm.at[idx_v.at[b * GPB + j]],
                    buf.at[pl.ds(j * C, C)],
                    sem,
                )
            pltpu.async_copy(
                off_hbm.at[pl.ds(base + b * BLK, BLK)], pbuf, sem)

        def wait_gathers(b, buf, pbuf, sem):
            for j in range(GPB):
                pltpu.make_async_copy(
                    table_hbm.at[idx_v.at[b * GPB + j]],
                    buf.at[pl.ds(j * C, C)],
                    sem,
                ).wait()
            pltpu.make_async_copy(
                off_hbm.at[pl.ds(base + b * BLK, BLK)], pbuf, sem).wait()

        def fire_out(b, obuf, sem):
            pltpu.async_copy(
                obuf, out_hbm.at[pl.ds(base + b * BLK, BLK)], sem)

        def wait_out(b, obuf, sem):
            pltpu.make_async_copy(
                obuf, out_hbm.at[pl.ds(base + b * BLK, BLK)], sem).wait()

        def add_pos(buf, pbuf, obuf):
            def body(r, carry):
                pvec = pbuf[r, pl.ds(0, NLANE)]
                for cc in range(EMB // NLANE):
                    sl = pl.ds(cc * NLANE, NLANE)
                    lo = buf[r, sl]
                    hi = buf[r, pl.ds(EMB + cc * NLANE, NLANE)]
                    obuf[r, sl] = lo + pvec * (hi - lo) + pos_v[r, sl]
                return carry

            lax.fori_loop(0, BLK, body, 0)

        fire_gathers(0, buf0, p0, gsem0)
        fire_gathers(1, buf1, p1, gsem1)

        wait_gathers(0, buf0, p0, gsem0)
        add_pos(buf0, p0, ob0)
        fire_out(0, ob0, osem0)
        fire_gathers(2, buf0, p0, gsem0)
        wait_gathers(1, buf1, p1, gsem1)
        add_pos(buf1, p1, ob1)
        fire_out(1, ob1, osem1)
        fire_gathers(3, buf1, p1, gsem1)

        def pair(p, carry):
            b0 = 2 * p
            wait_gathers(b0, buf0, p0, gsem0)
            wait_out(b0 - 2, ob0, osem0)
            add_pos(buf0, p0, ob0)
            fire_out(b0, ob0, osem0)
            fire_gathers(b0 + 2, buf0, p0, gsem0)
            wait_gathers(b0 + 1, buf1, p1, gsem1)
            wait_out(b0 - 1, ob1, osem1)
            add_pos(buf1, p1, ob1)
            fire_out(b0 + 1, ob1, osem1)
            fire_gathers(b0 + 3, buf1, p1, gsem1)
            return carry

        lax.fori_loop(1, NB // 2 - 1, pair, 0)

        b0 = NB - 2
        wait_gathers(b0, buf0, p0, gsem0)
        wait_out(b0 - 2, ob0, osem0)
        add_pos(buf0, p0, ob0)
        fire_out(b0, ob0, osem0)
        wait_gathers(b0 + 1, buf1, p1, gsem1)
        wait_out(b0 - 1, ob1, osem1)
        add_pos(buf1, p1, ob1)
        fire_out(b0 + 1, ob1, osem1)
        wait_out(b0, ob0, osem0)
        wait_out(b0 + 1, ob1, osem1)

    return k(idx2d, off2d, table2, pos)


def kernel(x, tok_emb, pos_emb):
    flat = x.reshape(NW * NCHUNK, C)
    idx2d = lax.shift_right_logical(flat, 1)
    off2d = jnp.broadcast_to(
        jnp.bitwise_and(flat, 1).astype(jnp.float32).reshape(-1, 1),
        (BATCH * SEQ, NLANE))
    table2 = tok_emb.reshape(tok_emb.shape[0] // 2, 2 * EMB)
    pos = pos_emb[0, :SEQ, :]
    out = _sc_embed(idx2d, off2d, table2, pos)
    return out.reshape(BATCH, SEQ, EMB)

# --- scband reference (transcript-rebuilt; emitter-appended) ---
"""Pipeline reference for scband-embedding-84997402788030 (READ-ONLY COPY).

The authoritative reference and input builder live on the scoring server;
editing this copy changes nothing except your own understanding.
"""

import jax, jax.numpy as jnp
import numpy as np

BATCH = 1024
SEQ_LEN = 200
VOCAB = 1000000
EMB_DIM = 64
CONTEXT_LEN = 200


def get_sinusoid_encoding_table(n_position, d_hid):
    pos = np.arange(n_position, dtype=np.float64)[:, None]
    hid = np.arange(d_hid, dtype=np.float64)[None, :]
    angle = pos / np.power(10000.0, 2.0 * (np.floor(hid / 2.0)) / d_hid)
    table = np.array(angle, dtype=np.float64)
    table[:, 0::2] = np.sin(table[:, 0::2])
    table[:, 1::2] = np.cos(table[:, 1::2])
    return jnp.asarray(table, dtype=jnp.float32)


def setup_inputs(seed: int = 0) -> dict:
    key = jax.random.key(seed)
    k1, k2 = jax.random.split(key)
    x = jax.random.randint(k1, (BATCH, SEQ_LEN), 0, VOCAB, dtype=jnp.int32)
    tok_emb = jax.random.normal(k2, (VOCAB, EMB_DIM), dtype=jnp.float32) * 0.02
    pos_emb = get_sinusoid_encoding_table(CONTEXT_LEN + 1, EMB_DIM)[None, :, :]
    return {"x": x, "tok_emb": tok_emb, "pos_emb": pos_emb}


def reference(x, tok_emb, pos_emb):
    # token embedding lookup (gather)
    emb = jnp.take(tok_emb, x, axis=0)  # [B, S, D]
    seq_len = x.shape[1]
    pos_embeds = pos_emb[:, :seq_len]   # [1, S, D]
    embedding = emb + pos_embeds
    return embedding

if __name__ == "__main__":
    import jax
    _d = setup_inputs()
    print(jax.jit(kernel)(*tuple(_d.values())))

</pallas_src>

<mosaic_0001>
#map = affine_map<(d0, d1) -> (0, 0)>
module attributes {stable_mosaic.version = 14 : i64} {
  func.func @k(%arg0: i32, %arg1: i32, %arg2: memref<2048x100xi32, #tpu.memory_space<hbm>>, %arg3: memref<204800x16xf32, #tpu.memory_space<hbm>>, %arg4: memref<500000x128xf32, #tpu.memory_space<hbm>>, %arg5: memref<200x64xf32, #tpu.memory_space<hbm>>, %arg6: memref<204800x64xf32, #tpu.memory_space<hbm>>, %arg7: memref<64x100xi32, #tpu.memory_space<vmem>>, %arg8: memref<200x16xf32, #tpu.memory_space<vmem>>, %arg9: memref<200x16xf32, #tpu.memory_space<vmem>>, %arg10: memref<200x128xf32, #tpu.memory_space<vmem>>, %arg11: memref<200x128xf32, #tpu.memory_space<vmem>>, %arg12: memref<200x64xf32, #tpu.memory_space<vmem>>, %arg13: memref<200x64xf32, #tpu.memory_space<vmem>>, %arg14: memref<200x64xf32, #tpu.memory_space<vmem>>, %arg15: memref<!tpu.dma_semaphore, #tpu.memory_space<semaphore_mem>>, %arg16: memref<!tpu.dma_semaphore, #tpu.memory_space<semaphore_mem>>, %arg17: memref<!tpu.dma_semaphore, #tpu.memory_space<semaphore_mem>>, %arg18: memref<!tpu.dma_semaphore, #tpu.memory_space<semaphore_mem>>) attributes {dimension_semantics = [#tpu.dimension_semantics<core_parallel>, #tpu.dimension_semantics<subcore_parallel>], iteration_bounds = array<i64: 2, 16>, scalar_prefetch = 0 : i64, scratch_operands = 12 : i64, tpu.core_type = #tpu.core_type<sc_vector_subcore>, window_params = [{transform_indices = #map}, {transform_indices = #map}, {transform_indices = #map}, {transform_indices = #map}, {transform_indices = #map}]} {
    %mul3A = arith.constant 2 : i32
    %mul3A_0 = arith.muli %arg1, %mul3A : i32
    %add3A = arith.addi %mul3A_0, %arg0 : i32
    %mul3A_1 = arith.constant 6400 : i32
    %mul3A_2 = arith.muli %add3A, %mul3A_1 : i32
    "tpu.region"() ({
      %run_scoped3A = tpu.sem_alloc : memref<!tpu.dma_semaphore, #tpu.memory_space<semaphore_mem>>
      tpu.enqueue_dma source(%arg5 : memref<200x64xf32, #tpu.memory_space<hbm>>) target(%arg14 : memref<200x64xf32, #tpu.memory_space<vmem>>) target_semaphore(%run_scoped3A : memref<!tpu.dma_semaphore, #tpu.memory_space<semaphore_mem>>)
      tpu.wait_dma2 semaphore(%run_scoped3A : memref<!tpu.dma_semaphore, #tpu.memory_space<semaphore_mem>>) src(%arg5 : memref<200x64xf32, #tpu.memory_space<hbm>>) dst(%arg14 : memref<200x64xf32, #tpu.memory_space<vmem>>)
      tpu.yield
    }) : () -> ()
    %mul3A_3 = arith.constant 64 : i32
    %mul3A_4 = arith.muli %add3A, %mul3A_3 : i32
    "tpu.region"() ({
      %run_scoped3A = tpu.sem_alloc : memref<!tpu.dma_semaphore, #tpu.memory_space<semaphore_mem>>
      %dma_start3A_288 = arith.constant 0 : i32
      %dma_start3A_289 = tpu.memref_slice %arg2[%mul3A_4, %dma_start3A_288] : memref<2048x100xi32, #tpu.memory_space<hbm>> -> memref<64x100xi32, #tpu.memory_space<hbm>>
      %dma_start3A_290 = arith.constant 0 : i32
      %dma_start3A_291 = tpu.memref_slice %arg2[%mul3A_4, %dma_start3A_290] : memref<2048x100xi32, #tpu.memory_space<hbm>> -> memref<64x100xi32, #tpu.memory_space<hbm>>
      tpu.enqueue_dma source(%dma_start3A_291 : memref<64x100xi32, #tpu.memory_space<hbm>>) target(%arg7 : memref<64x100xi32, #tpu.memory_space<vmem>>) target_semaphore(%run_scoped3A : memref<!tpu.dma_semaphore, #tpu.memory_space<semaphore_mem>>)
      %dma_wait3A_292 = arith.constant 0 : i32
      %dma_wait3A_293 = tpu.memref_slice %arg2[%mul3A_4, %dma_wait3A_292] : memref<2048x100xi32, #tpu.memory_space<hbm>> -> memref<64x100xi32, #tpu.memory_space<hbm>>
      %dma_wait3A_294 = arith.constant 0 : i32
      %dma_wait3A_295 = tpu.memref_slice %arg2[%mul3A_4, %dma_wait3A_294] : memref<2048x100xi32, #tpu.memory_space<hbm>> -> memref<64x100xi32, #tpu.memory_space<hbm>>
      tpu.wait_dma2 semaphore(%run_scoped3A : memref<!tpu.dma_semaphore, #tpu.memory_space<semaphore_mem>>) src(%dma_wait3A_295 : memref<64x100xi32, #tpu.memory_space<hbm>>) dst(%arg7 : memref<64x100xi32, #tpu.memory_space<vmem>>)
      tpu.yield
    }) : () -> ()
    %dma_start3A = arith.constant 0 : i32
    %dma_start3A_5 = arith.constant 0 : i32
    %dma_start3A_6 = arith.constant 0 : i32
    %dma_start3A_7 = tpu.memref_slice %arg10[%dma_start3A_5, %dma_start3A_6] : memref<200x128xf32, #tpu.memory_space<vmem>> -> memref<100x128xf32, #tpu.memory_space<vmem>>
    %dma_start3A_8 = arith.constant 0 : i32
    %dma_start3A_9 = tpu.memref_slice %arg7[%dma_start3A, %dma_start3A_8] : memref<64x100xi32, #tpu.memory_space<vmem>> -> memref<1x100xi32, #tpu.memory_space<vmem>>
    %dma_start3A_10 = tpu.memref_squeeze %dma_start3A_9 : memref<1x100xi32, #tpu.memory_space<vmem>> -> memref<100xi32, #tpu.memory_space<vmem>>
    %dma_start3A_11 = arith.constant 0 : i32
    %dma_start3A_12 = arith.constant 0 : i32
    %dma_start3A_13 = tpu.memref_slice %arg4[%dma_start3A_11, %dma_start3A_12] : memref<500000x128xf32, #tpu.memory_space<hbm>> -> memref<500000x128xf32, #tpu.memory_space<hbm>>
    tpu.enqueue_indirect_dma source(%dma_start3A_13 : memref<500000x128xf32, #tpu.memory_space<hbm>>) target(%dma_start3A_7 : memref<100x128xf32, #tpu.memory_space<vmem>>) offsets(%dma_start3A_10 : memref<100xi32, #tpu.memory_space<vmem>>) semaphore(%arg15 : memref<!tpu.dma_semaphore, #tpu.memory_space<semaphore_mem>>)
    %dma_start3A_14 = arith.constant 1 : i32
    %dma_start3A_15 = arith.constant 100 : i32
    %dma_start3A_16 = arith.constant 0 : i32
    %dma_start3A_17 = tpu.memref_slice %arg10[%dma_start3A_15, %dma_start3A_16] : memref<200x128xf32, #tpu.memory_space<vmem>> -> memref<100x128xf32, #tpu.memory_space<vmem>>
    %dma_start3A_18 = arith.constant 0 : i32
    %dma_start3A_19 = tpu.memref_slice %arg7[%dma_start3A_14, %dma_start3A_18] : memref<64x100xi32, #tpu.memory_space<vmem>> -> memref<1x100xi32, #tpu.memory_space<vmem>>
    %dma_start3A_20 = tpu.memref_squeeze %dma_start3A_19 : memref<1x100xi32, #tpu.memory_space<vmem>> -> memref<100xi32, #tpu.memory_space<vmem>>
    %dma_start3A_21 = arith.constant 0 : i32
    %dma_start3A_22 = arith.constant 0 : i32
    %dma_start3A_23 = tpu.memref_slice %arg4[%dma_start3A_21, %dma_start3A_22] : memref<500000x128xf32, #tpu.memory_space<hbm>> -> memref<500000x128xf32, #tpu.memory_space<hbm>>
    tpu.enqueue_indirect_dma source(%dma_start3A_23 : memref<500000x128xf32, #tpu.memory_space<hbm>>) target(%dma_start3A_17 : memref<100x128xf32, #tpu.memory_space<vmem>>) offsets(%dma_start3A_20 : memref<100xi32, #tpu.memory_space<vmem>>) semaphore(%arg15 : memref<!tpu.dma_semaphore, #tpu.memory_space<semaphore_mem>>)
    %add3A_24 = arith.constant 0 : i32
    %add3A_25 = arith.addi %mul3A_2, %add3A_24 : i32
    %dma_start3A_26 = arith.constant 0 : i32
    %dma_start3A_27 = tpu.memref_slice %arg3[%add3A_25, %dma_start3A_26] : memref<204800x16xf32, #tpu.memory_space<hbm>> -> memref<200x16xf32, #tpu.memory_space<hbm>>
    %dma_start3A_28 = arith.constant 0 : i32
    %dma_start3A_29 = tpu.memref_slice %arg3[%add3A_25, %dma_start3A_28] : memref<204800x16xf32, #tpu.memory_space<hbm>> -> memref<200x16xf32, #tpu.memory_space<hbm>>
    tpu.enqueue_dma source(%dma_start3A_29 : memref<200x16xf32, #tpu.memory_space<hbm>>) target(%arg8 : memref<200x16xf32, #tpu.memory_space<vmem>>) target_semaphore(%arg15 : memref<!tpu.dma_semaphore, #tpu.memory_space<semaphore_mem>>)
    %dma_start3A_30 = arith.constant 2 : i32
    %dma_start3A_31 = arith.constant 0 : i32
    %dma_start3A_32 = arith.constant 0 : i32
    %dma_start3A_33 = tpu.memref_slice %arg11[%dma_start3A_31, %dma_start3A_32] : memref<200x128xf32, #tpu.memory_space<vmem>> -> memref<100x128xf32, #tpu.memory_space<vmem>>
    %dma_start3A_34 = arith.constant 0 : i32
    %dma_start3A_35 = tpu.memref_slice %arg7[%dma_start3A_30, %dma_start3A_34] : memref<64x100xi32, #tpu.memory_space<vmem>> -> memref<1x100xi32, #tpu.memory_space<vmem>>
    %dma_start3A_36 = tpu.memref_squeeze %dma_start3A_35 : memref<1x100xi32, #tpu.memory_space<vmem>> -> memref<100xi32, #tpu.memory_space<vmem>>
    %dma_start3A_37 = arith.constant 0 : i32
    %dma_start3A_38 = arith.constant 0 : i32
    %dma_start3A_39 = tpu.memref_slice %arg4[%dma_start3A_37, %dma_start3A_38] : memref<500000x128xf32, #tpu.memory_space<hbm>> -> memref<500000x128xf32, #tpu.memory_space<hbm>>
    tpu.enqueue_indirect_dma source(%dma_start3A_39 : memref<500000x128xf32, #tpu.memory_space<hbm>>) target(%dma_start3A_33 : memref<100x128xf32, #tpu.memory_space<vmem>>) offsets(%dma_start3A_36 : memref<100xi32, #tpu.memory_space<vmem>>) semaphore(%arg16 : memref<!tpu.dma_semaphore, #tpu.memory_space<semaphore_mem>>)
    %dma_start3A_40 = arith.constant 3 : i32
    %dma_start3A_41 = arith.constant 100 : i32
    %dma_start3A_42 = arith.constant 0 : i32
    %dma_start3A_43 = tpu.memref_slice %arg11[%dma_start3A_41, %dma_start3A_42] : memref<200x128xf32, #tpu.memory_space<vmem>> -> memref<100x128xf32, #tpu.memory_space<vmem>>
    %dma_start3A_44 = arith.constant 0 : i32
    %dma_start3A_45 = tpu.memref_slice %arg7[%dma_start3A_40, %dma_start3A_44] : memref<64x100xi32, #tpu.memory_space<vmem>> -> memref<1x100xi32, #tpu.memory_space<vmem>>
    %dma_start3A_46 = tpu.memref_squeeze %dma_start3A_45 : memref<1x100xi32, #tpu.memory_space<vmem>> -> memref<100xi32, #tpu.memory_space<vmem>>
    %dma_start3A_47 = arith.constant 0 : i32
    %dma_start3A_48 = arith.constant 0 : i32
    %dma_start3A_49 = tpu.memref_slice %arg4[%dma_start3A_47, %dma_start3A_48] : memref<500000x128xf32, #tpu.memory_space<hbm>> -> memref<500000x128xf32, #tpu.memory_space<hbm>>
    tpu.enqueue_indirect_dma source(%dma_start3A_49 : memref<500000x128xf32, #tpu.memory_space<hbm>>) target(%dma_start3A_43 : memref<100x128xf32, #tpu.memory_space<vmem>>) offsets(%dma_start3A_46 : memref<100xi32, #tpu.memory_space<vmem>>) semaphore(%arg16 : memref<!tpu.dma_semaphore, #tpu.memory_space<semaphore_mem>>)
    %add3A_50 = arith.constant 200 : i32
    %add3A_51 = arith.addi %mul3A_2, %add3A_50 : i32
    %dma_start3A_52 = arith.constant 0 : i32
    %dma_start3A_53 = tpu.memref_slice %arg3[%add3A_51, %dma_start3A_52] : memref<204800x16xf32, #tpu.memory_space<hbm>> -> memref<200x16xf32, #tpu.memory_space<hbm>>
    %dma_start3A_54 = arith.constant 0 : i32
    %dma_start3A_55 = tpu.memref_slice %arg3[%add3A_51, %dma_start3A_54] : memref<204800x16xf32, #tpu.memory_space<hbm>> -> memref<200x16xf32, #tpu.memory_space<hbm>>
    tpu.enqueue_dma source(%dma_start3A_55 : memref<200x16xf32, #tpu.memory_space<hbm>>) target(%arg9 : memref<200x16xf32, #tpu.memory_space<vmem>>) target_semaphore(%arg16 : memref<!tpu.dma_semaphore, #tpu.memory_space<semaphore_mem>>)
    %dma_wait3A = arith.constant 0 : i32
    %dma_wait3A_56 = arith.constant 0 : i32
    %dma_wait3A_57 = arith.constant 0 : i32
    %dma_wait3A_58 = tpu.memref_slice %arg10[%dma_wait3A_56, %dma_wait3A_57] : memref<200x128xf32, #tpu.memory_space<vmem>> -> memref<100x128xf32, #tpu.memory_space<vmem>>
    %dma_wait3A_59 = arith.constant 0 : i32
    %dma_wait3A_60 = tpu.memref_slice %arg7[%dma_wait3A, %dma_wait3A_59] : memref<64x100xi32, #tpu.memory_space<vmem>> -> memref<1x100xi32, #tpu.memory_space<vmem>>
    %dma_wait3A_61 = tpu.memref_squeeze %dma_wait3A_60 : memref<1x100xi32, #tpu.memory_space<vmem>> -> memref<100xi32, #tpu.memory_space<vmem>>
    %dma_wait3A_62 = arith.constant 0 : i32
    %dma_wait3A_63 = arith.constant 0 : i32
    %dma_wait3A_64 = tpu.memref_slice %arg4[%dma_wait3A_62, %dma_wait3A_63] : memref<500000x128xf32, #tpu.memory_space<hbm>> -> memref<500000x128xf32, #tpu.memory_space<hbm>>
    tpu.wait_indirect_dma semaphore(%arg15 : memref<!tpu.dma_semaphore, #tpu.memory_space<semaphore_mem>>) src(%dma_wait3A_64 : memref<500000x128xf32, #tpu.memory_space<hbm>>) dst(%dma_wait3A_58 : memref<100x128xf32, #tpu.memory_space<vmem>>)
    %dma_wait3A_65 = arith.constant 1 : i32
    %dma_wait3A_66 = arith.constant 100 : i32
    %dma_wait3A_67 = arith.constant 0 : i32
    %dma_wait3A_68 = tpu.memref_slice %arg10[%dma_wait3A_66, %dma_wait3A_67] : memref<200x128xf32, #tpu.memory_space<vmem>> -> memref<100x128xf32, #tpu.memory_space<vmem>>
    %dma_wait3A_69 = arith.constant 0 : i32
    %dma_wait3A_70 = tpu.memref_slice %arg7[%dma_wait3A_65, %dma_wait3A_69] : memref<64x100xi32, #tpu.memory_space<vmem>> -> memref<1x100xi32, #tpu.memory_space<vmem>>
    %dma_wait3A_71 = tpu.memref_squeeze %dma_wait3A_70 : memref<1x100xi32, #tpu.memory_space<vmem>> -> memref<100xi32, #tpu.memory_space<vmem>>
    %dma_wait3A_72 = arith.constant 0 : i32
    %dma_wait3A_73 = arith.constant 0 : i32
    %dma_wait3A_74 = tpu.memref_slice %arg4[%dma_wait3A_72, %dma_wait3A_73] : memref<500000x128xf32, #tpu.memory_space<hbm>> -> memref<500000x128xf32, #tpu.memory_space<hbm>>
    tpu.wait_indirect_dma semaphore(%arg15 : memref<!tpu.dma_semaphore, #tpu.memory_space<semaphore_mem>>) src(%dma_wait3A_74 : memref<500000x128xf32, #tpu.memory_space<hbm>>) dst(%dma_wait3A_68 : memref<100x128xf32, #tpu.memory_space<vmem>>)
    %add3A_75 = arith.constant 0 : i32
    %add3A_76 = arith.addi %mul3A_2, %add3A_75 : i32
    %dma_wait3A_77 = arith.constant 0 : i32
    %dma_wait3A_78 = tpu.memref_slice %arg3[%add3A_76, %dma_wait3A_77] : memref<204800x16xf32, #tpu.memory_space<hbm>> -> memref<200x16xf32, #tpu.memory_space<hbm>>
    %dma_wait3A_79 = arith.constant 0 : i32
    %dma_wait3A_80 = tpu.memref_slice %arg3[%add3A_76, %dma_wait3A_79] : memref<204800x16xf32, #tpu.memory_space<hbm>> -> memref<200x16xf32, #tpu.memory_space<hbm>>
    tpu.wait_dma2 semaphore(%arg15 : memref<!tpu.dma_semaphore, #tpu.memory_space<semaphore_mem>>) src(%dma_wait3A_80 : memref<200x16xf32, #tpu.memory_space<hbm>>) dst(%arg8 : memref<200x16xf32, #tpu.memory_space<vmem>>)
    %scan3A = arith.constant 0 : i32
    %scan3A_81 = arith.constant 0 : i32
    %scan3A_82 = arith.constant 200 : i32
    %scan3A_83 = arith.addi %scan3A_81, %scan3A_82 : i32
    %scan3A_84 = arith.constant 1 : i32
    scf.for %scan3A_288 = %scan3A_81 to %scan3A_83 step %scan3A_84  : i32 {
      %get3A = arith.index_cast %scan3A_288 : i32 to index
      %get3A_289 = arith.constant 0 : index
      %get3A_290 = tpu.vector_load %arg8[%get3A, %get3A_289] {strides = array<i32>} : memref<200x16xf32, #tpu.memory_space<vmem>>, vector<1x16xf32>,
      %get3A_291 = vector.shape_cast %get3A_290 : vector<1x16xf32> to vector<16xf32>
      %get3A_292 = arith.index_cast %scan3A_288 : i32 to index
      %get3A_293 = arith.constant 0 : index
      %get3A_294 = tpu.vector_load %arg10[%get3A_292, %get3A_293] {strides = array<i32>} : memref<200x128xf32, #tpu.memory_space<vmem>>, vector<1x16xf32>,
      %get3A_295 = vector.shape_cast %get3A_294 : vector<1x16xf32> to vector<16xf32>
      %get3A_296 = arith.index_cast %scan3A_288 : i32 to index
      %get3A_297 = arith.constant 64 : index
      %get3A_298 = tpu.vector_load %arg10[%get3A_296, %get3A_297] {strides = array<i32>} : memref<200x128xf32, #tpu.memory_space<vmem>>, vector<1x16xf32>,
      %get3A_299 = vector.shape_cast %get3A_298 : vector<1x16xf32> to vector<16xf32>
      %sub3A = arith.subf %get3A_299, %get3A_295 : vector<16xf32>
      %mul3A_300 = arith.mulf %get3A_291, %sub3A : vector<16xf32>
      %add3A_301 = arith.addf %get3A_295, %mul3A_300 : vector<16xf32>
      %get3A_302 = arith.index_cast %scan3A_288 : i32 to index
      %get3A_303 = arith.constant 0 : index
      %get3A_304 = tpu.vector_load %arg14[%get3A_302, %get3A_303] {strides = array<i32>} : memref<200x64xf32, #tpu.memory_space<vmem>>, vector<1x16xf32>,
      %get3A_305 = vector.shape_cast %get3A_304 : vector<1x16xf32> to vector<16xf32>
      %add3A_306 = arith.addf %add3A_301, %get3A_305 : vector<16xf32>
      %swap3A = arith.index_cast %scan3A_288 : i32 to index
      %swap3A_307 = arith.constant 0 : index
      %swap3A_308 = tpu.vector_load %arg12[%swap3A, %swap3A_307] {strides = array<i32>} : memref<200x64xf32, #tpu.memory_space<vmem>>, vector<1x16xf32>,
      %swap3A_309 = vector.shape_cast %swap3A_308 : vector<1x16xf32> to vector<16xf32>
      %swap3A_310 = vector.shape_cast %add3A_306 : vector<16xf32> to vector<1x16xf32>
      tpu.vector_store %arg12[%swap3A, %swap3A_307], %swap3A_310 {strides = array<i32>} : memref<200x64xf32, #tpu.memory_space<vmem>>, vector<1x16xf32>,
      %get3A_311 = arith.index_cast %scan3A_288 : i32 to index
      %get3A_312 = arith.constant 16 : index
      %get3A_313 = tpu.vector_load %arg10[%get3A_311, %get3A_312] {strides = array<i32>} : memref<200x128xf32, #tpu.memory_space<vmem>>, vector<1x16xf32>,
      %get3A_314 = vector.shape_cast %get3A_313 : vector<1x16xf32> to vector<16xf32>
      %get3A_315 = arith.index_cast %scan3A_288 : i32 to index
      %get3A_316 = arith.constant 80 : index
      %get3A_317 = tpu.vector_load %arg10[%get3A_315, %get3A_316] {strides = array<i32>} : memref<200x128xf32, #tpu.memory_space<vmem>>, vector<1x16xf32>,
      %get3A_318 = vector.shape_cast %get3A_317 : vector<1x16xf32> to vector<16xf32>
      %sub3A_319 = arith.subf %get3A_318, %get3A_314 : vector<16xf32>
      %mul3A_320 = arith.mulf %get3A_291, %sub3A_319 : vector<16xf32>
      %add3A_321 = arith.addf %get3A_314, %mul3A_320 : vector<16xf32>
      %get3A_322 = arith.index_cast %scan3A_288 : i32 to index
      %get3A_323 = arith.constant 16 : index
      %get3A_324 = tpu.vector_load %arg14[%get3A_322, %get3A_323] {strides = array<i32>} : memref<200x64xf32, #tpu.memory_space<vmem>>, vector<1x16xf32>,
      %get3A_325 = vector.shape_cast %get3A_324 : vector<1x16xf32> to vector<16xf32>
      %add3A_326 = arith.addf %add3A_321, %get3A_325 : vector<16xf32>
      %swap3A_327 = arith.index_cast %scan3A_288 : i32 to index
      %swap3A_328 = arith.constant 16 : index
      %swap3A_329 = tpu.vector_load %arg12[%swap3A_327, %swap3A_328] {strides = array<i32>} : memref<200x64xf32, #tpu.memory_space<vmem>>, vector<1x16xf32>,
      %swap3A_330 = vector.shape_cast %swap3A_329 : vector<1x16xf32> to vector<16xf32>
      %swap3A_331 = vector.shape_cast %add3A_326 : vector<16xf32> to vector<1x16xf32>
      tpu.vector_store %arg12[%swap3A_327, %swap3A_328], %swap3A_331 {strides = array<i32>} : memref<200x64xf32, #tpu.memory_space<vmem>>, vector<1x16xf32>,
      %get3A_332 = arith.index_cast %scan3A_288 : i32 to index
      %get3A_333 = arith.constant 32 : index
      %get3A_334 = tpu.vector_load %arg10[%get3A_332, %get3A_333] {strides = array<i32>} : memref<200x128xf32, #tpu.memory_space<vmem>>, vector<1x16xf32>,
      %get3A_335 = vector.shape_cast %get3A_334 : vector<1x16xf32> to vector<16xf32>
      %get3A_336 = arith.index_cast %scan3A_288 : i32 to index
      %get3A_337 = arith.constant 96 : index
      %get3A_338 = tpu.vector_load %arg10[%get3A_336, %get3A_337] {strides = array<i32>} : memref<200x128xf32, #tpu.memory_space<vmem>>, vector<1x16xf32>,
      %get3A_339 = vector.shape_cast %get3A_338 : vector<1x16xf32> to vector<16xf32>
      %sub3A_340 = arith.subf %get3A_339, %get3A_335 : vector<16xf32>
      %mul3A_341 = arith.mulf %get3A_291, %sub3A_340 : vector<16xf32>
      %add3A_342 = arith.addf %get3A_335, %mul3A_341 : vector<16xf32>
      %get3A_343 = arith.index_cast %scan3A_288 : i32 to index
      %get3A_344 = arith.constant 32 : index
      %get3A_345 = tpu.vector_load %arg14[%get3A_343, %get3A_344] {strides = array<i32>} : memref<200x64xf32, #tpu.memory_space<vmem>>, vector<1x16xf32>,
      %get3A_346 = vector.shape_cast %get3A_345 : vector<1x16xf32> to vector<16xf32>
      %add3A_347 = arith.addf %add3A_342, %get3A_346 : vector<16xf32>
      %swap3A_348 = arith.index_cast %scan3A_288 : i32 to index
      %swap3A_349 = arith.constant 32 : index
      %swap3A_350 = tpu.vector_load %arg12[%swap3A_348, %swap3A_349] {strides = array<i32>} : memref<200x64xf32, #tpu.memory_space<vmem>>, vector<1x16xf32>,
      %swap3A_351 = vector.shape_cast %swap3A_350 : vector<1x16xf32> to vector<16xf32>
      %swap3A_352 = vector.shape_cast %add3A_347 : vector<16xf32> to vector<1x16xf32>
      tpu.vector_store %arg12[%swap3A_348, %swap3A_349], %swap3A_352 {strides = array<i32>} : memref<200x64xf32, #tpu.memory_space<vmem>>, vector<1x16xf32>,
      %get3A_353 = arith.index_cast %scan3A_288 : i32 to index
      %get3A_354 = arith.constant 48 : index
      %get3A_355 = tpu.vector_load %arg10[%get3A_353, %get3A_354] {strides = array<i32>} : memref<200x128xf32, #tpu.memory_space<vmem>>, vector<1x16xf32>,
      %get3A_356 = vector.shape_cast %get3A_355 : vector<1x16xf32> to vector<16xf32>
      %get3A_357 = arith.index_cast %scan3A_288 : i32 to index
      %get3A_358 = arith.constant 112 : index
      %get3A_359 = tpu.vector_load %arg10[%get3A_357, %get3A_358] {strides = array<i32>} : memref<200x128xf32, #tpu.memory_space<vmem>>, vector<1x16xf32>,
      %get3A_360 = vector.shape_cast %get3A_359 : vector<1x16xf32> to vector<16xf32>
      %sub3A_361 = arith.subf %get3A_360, %get3A_356 : vector<16xf32>
      %mul3A_362 = arith.mulf %get3A_291, %sub3A_361 : vector<16xf32>
      %add3A_363 = arith.addf %get3A_356, %mul3A_362 : vector<16xf32>
      %get3A_364 = arith.index_cast %scan3A_288 : i32 to index
      %get3A_365 = arith.constant 48 : index
      %get3A_366 = tpu.vector_load %arg14[%get3A_364, %get3A_365] {strides = array<i32>} : memref<200x64xf32, #tpu.memory_space<vmem>>, vector<1x16xf32>,
      %get3A_367 = vector.shape_cast %get3A_366 : vector<1x16xf32> to vector<16xf32>
      %add3A_368 = arith.addf %add3A_363, %get3A_367 : vector<16xf32>
      %swap3A_369 = arith.index_cast %scan3A_288 : i32 to index
      %swap3A_370 = arith.constant 48 : index
      %swap3A_371 = tpu.vector_load %arg12[%swap3A_369, %swap3A_370] {strides = array<i32>} : memref<200x64xf32, #tpu.memory_space<vmem>>, vector<1x16xf32>,
      %swap3A_372 = vector.shape_cast %swap3A_371 : vector<1x16xf32> to vector<16xf32>
      %swap3A_373 = vector.shape_cast %add3A_368 : vector<16xf32> to vector<1x16xf32>
      tpu.vector_store %arg12[%swap3A_369, %swap3A_370], %swap3A_373 {strides = array<i32>} : memref<200x64xf32, #tpu.memory_space<vmem>>, vector<1x16xf32>,
    }
    %scan3A_85 = arith.constant 200 : i32
    %add3A_86 = arith.constant 0 : i32
    %add3A_87 = arith.addi %mul3A_2, %add3A_86 : i32
    %dma_start3A_88 = arith.constant 0 : i32
    %dma_start3A_89 = tpu.memref_slice %arg6[%add3A_87, %dma_start3A_88] : memref<204800x64xf32, #tpu.memory_space<hbm>> -> memref<200x64xf32, #tpu.memory_space<hbm>>
    %dma_start3A_90 = arith.constant 0 : i32
    %dma_start3A_91 = tpu.memref_slice %arg6[%add3A_87, %dma_start3A_90] : memref<204800x64xf32, #tpu.memory_space<hbm>> -> memref<200x64xf32, #tpu.memory_space<hbm>>
    tpu.enqueue_dma source(%arg12 : memref<200x64xf32, #tpu.memory_space<vmem>>) target(%dma_start3A_91 : memref<200x64xf32, #tpu.memory_space<hbm>>) target_semaphore(%arg17 : memref<!tpu.dma_semaphore, #tpu.memory_space<semaphore_mem>>)
    %dma_start3A_92 = arith.constant 4 : i32
    %dma_start3A_93 = arith.constant 0 : i32
    %dma_start3A_94 = arith.constant 0 : i32
    %dma_start3A_95 = tpu.memref_slice %arg10[%dma_start3A_93, %dma_start3A_94] : memref<200x128xf32, #tpu.memory_space<vmem>> -> memref<100x128xf32, #tpu.memory_space<vmem>>
    %dma_start3A_96 = arith.constant 0 : i32
    %dma_start3A_97 = tpu.memref_slice %arg7[%dma_start3A_92, %dma_start3A_96] : memref<64x100xi32, #tpu.memory_space<vmem>> -> memref<1x100xi32, #tpu.memory_space<vmem>>
    %dma_start3A_98 = tpu.memref_squeeze %dma_start3A_97 : memref<1x100xi32, #tpu.memory_space<vmem>> -> memref<100xi32, #tpu.memory_space<vmem>>
    %dma_start3A_99 = arith.constant 0 : i32
    %dma_start3A_100 = arith.constant 0 : i32
    %dma_start3A_101 = tpu.memref_slice %arg4[%dma_start3A_99, %dma_start3A_100] : memref<500000x128xf32, #tpu.memory_space<hbm>> -> memref<500000x128xf32, #tpu.memory_space<hbm>>
    tpu.enqueue_indirect_dma source(%dma_start3A_101 : memref<500000x128xf32, #tpu.memory_space<hbm>>) target(%dma_start3A_95 : memref<100x128xf32, #tpu.memory_space<vmem>>) offsets(%dma_start3A_98 : memref<100xi32, #tpu.memory_space<vmem>>) semaphore(%arg15 : memref<!tpu.dma_semaphore, #tpu.memory_space<semaphore_mem>>)
    %dma_start3A_102 = arith.constant 5 : i32
    %dma_start3A_103 = arith.constant 100 : i32
    %dma_start3A_104 = arith.constant 0 : i32
    %dma_start3A_105 = tpu.memref_slice %arg10[%dma_start3A_103, %dma_start3A_104] : memref<200x128xf32, #tpu.memory_space<vmem>> -> memref<100x128xf32, #tpu.memory_space<vmem>>
    %dma_start3A_106 = arith.constant 0 : i32
    %dma_start3A_107 = tpu.memref_slice %arg7[%dma_start3A_102, %dma_start3A_106] : memref<64x100xi32, #tpu.memory_space<vmem>> -> memref<1x100xi32, #tpu.memory_space<vmem>>
    %dma_start3A_108 = tpu.memref_squeeze %dma_start3A_107 : memref<1x100xi32, #tpu.memory_space<vmem>> -> memref<100xi32, #tpu.memory_space<vmem>>
    %dma_start3A_109 = arith.constant 0 : i32
    %dma_start3A_110 = arith.constant 0 : i32
    %dma_start3A_111 = tpu.memref_slice %arg4[%dma_start3A_109, %dma_start3A_110] : memref<500000x128xf32, #tpu.memory_space<hbm>> -> memref<500000x128xf32, #tpu.memory_space<hbm>>
    tpu.enqueue_indirect_dma source(%dma_start3A_111 : memref<500000x128xf32, #tpu.memory_space<hbm>>) target(%dma_start3A_105 : memref<100x128xf32, #tpu.memory_space<vmem>>) offsets(%dma_start3A_108 : memref<100xi32, #tpu.memory_space<vmem>>) semaphore(%arg15 : memref<!tpu.dma_semaphore, #tpu.memory_space<semaphore_mem>>)
    %add3A_112 = arith.constant 400 : i32
    %add3A_113 = arith.addi %mul3A_2, %add3A_112 : i32
    %dma_start3A_114 = arith.constant 0 : i32
    %dma_start3A_115 = tpu.memref_slice %arg3[%add3A_113, %dma_start3A_114] : memref<204800x16xf32, #tpu.memory_space<hbm>> -> memref<200x16xf32, #tpu.memory_space<hbm>>
    %dma_start3A_116 = arith.constant 0 : i32
    %dma_start3A_117 = tpu.memref_slice %arg3[%add3A_113, %dma_start3A_116] : memref<204800x16xf32, #tpu.memory_space<hbm>> -> memref<200x16xf32, #tpu.memory_space<hbm>>
    tpu.enqueue_dma source(%dma_start3A_117 : memref<200x16xf32, #tpu.memory_space<hbm>>) target(%arg8 : memref<200x16xf32, #tpu.memory_space<vmem>>) target_semaphore(%arg15 : memref<!tpu.dma_semaphore, #tpu.memory_space<semaphore_mem>>)
    %dma_wait3A_118 = arith.constant 2 : i32
    %dma_wait3A_119 = arith.constant 0 : i32
    %dma_wait3A_120 = arith.constant 0 : i32
    %dma_wait3A_121 = tpu.memref_slice %arg11[%dma_wait3A_119, %dma_wait3A_120] : memref<200x128xf32, #tpu.memory_space<vmem>> -> memref<100x128xf32, #tpu.memory_space<vmem>>
    %dma_wait3A_122 = arith.constant 0 : i32
    %dma_wait3A_123 = tpu.memref_slice %arg7[%dma_wait3A_118, %dma_wait3A_122] : memref<64x100xi32, #tpu.memory_space<vmem>> -> memref<1x100xi32, #tpu.memory_space<vmem>>
    %dma_wait3A_124 = tpu.memref_squeeze %dma_wait3A_123 : memref<1x100xi32, #tpu.memory_space<vmem>> -> memref<100xi32, #tpu.memory_space<vmem>>
    %dma_wait3A_125 = arith.constant 0 : i32
    %dma_wait3A_126 = arith.constant 0 : i32
    %dma_wait3A_127 = tpu.memref_slice %arg4[%dma_wait3A_125, %dma_wait3A_126] : memref<500000x128xf32, #tpu.memory_space<hbm>> -> memref<500000x128xf32, #tpu.memory_space<hbm>>
    tpu.wait_indirect_dma semaphore(%arg16 : memref<!tpu.dma_semaphore, #tpu.memory_space<semaphore_mem>>) src(%dma_wait3A_127 : memref<500000x128xf32, #tpu.memory_space<hbm>>) dst(%dma_wait3A_121 : memref<100x128xf32, #tpu.memory_space<vmem>>)
    %dma_wait3A_128 = arith.constant 3 : i32
    %dma_wait3A_129 = arith.constant 100 : i32
    %dma_wait3A_130 = arith.constant 0 : i32
    %dma_wait3A_131 = tpu.memref_slice %arg11[%dma_wait3A_129, %dma_wait3A_130] : memref<200x128xf32, #tpu.memory_space<vmem>> -> memref<100x128xf32, #tpu.memory_space<vmem>>
    %dma_wait3A_132 = arith.constant 0 : i32
    %dma_wait3A_133 = tpu.memref_slice %arg7[%dma_wait3A_128, %dma_wait3A_132] : memref<64x100xi32, #tpu.memory_space<vmem>> -> memref<1x100xi32, #tpu.memory_space<vmem>>
    %dma_wait3A_134 = tpu.memref_squeeze %dma_wait3A_133 : memref<1x100xi32, #tpu.memory_space<vmem>> -> memref<100xi32, #tpu.memory_space<vmem>>
    %dma_wait3A_135 = arith.constant 0 : i32
    %dma_wait3A_136 = arith.constant 0 : i32
    %dma_wait3A_137 = tpu.memref_slice %arg4[%dma_wait3A_135, %dma_wait3A_136] : memref<500000x128xf32, #tpu.memory_space<hbm>> -> memref<500000x128xf32, #tpu.memory_space<hbm>>
    tpu.wait_indirect_dma semaphore(%arg16 : memref<!tpu.dma_semaphore, #tpu.memory_space<semaphore_mem>>) src(%dma_wait3A_137 : memref<500000x128xf32, #tpu.memory_space<hbm>>) dst(%dma_wait3A_131 : memref<100x128xf32, #tpu.memory_space<vmem>>)
    %add3A_138 = arith.constant 200 : i32
    %add3A_139 = arith.addi %mul3A_2, %add3A_138 : i32
    %dma_wait3A_140 = arith.constant 0 : i32
    %dma_wait3A_141 = tpu.memref_slice %arg3[%add3A_139, %dma_wait3A_140] : memref<204800x16xf32, #tpu.memory_space<hbm>> -> memref<200x16xf32, #tpu.memory_space<hbm>>
    %dma_wait3A_142 = arith.constant 0 : i32
    %dma_wait3A_143 = tpu.memref_slice %arg3[%add3A_139, %dma_wait3A_142] : memref<204800x16xf32, #tpu.memory_space<hbm>> -> memref<200x16xf32, #tpu.memory_space<hbm>>
    tpu.wait_dma2 semaphore(%arg16 : memref<!tpu.dma_semaphore, #tpu.memory_space<semaphore_mem>>) src(%dma_wait3A_143 : memref<200x16xf32, #tpu.memory_space<hbm>>) dst(%arg9 : memref<200x16xf32, #tpu.memory_space<vmem>>)
    %scan3A_144 = arith.constant 0 : i32
    %scan3A_145 = arith.constant 0 : i32
    %scan3A_146 = arith.constant 200 : i32
    %scan3A_147 = arith.addi %scan3A_145, %scan3A_146 : i32
    %scan3A_148 = arith.constant 1 : i32
    scf.for %scan3A_288 = %scan3A_145 to %scan3A_147 step %scan3A_148  : i32 {
      %get3A = arith.index_cast %scan3A_288 : i32 to index
      %get3A_289 = arith.constant 0 : index
      %get3A_290 = tpu.vector_load %arg9[%get3A, %get3A_289] {strides = array<i32>} : memref<200x16xf32, #tpu.memory_space<vmem>>, vector<1x16xf32>,
      %get3A_291 = vector.shape_cast %get3A_290 : vector<1x16xf32> to vector<16xf32>
      %get3A_292 = arith.index_cast %scan3A_288 : i32 to index
      %get3A_293 = arith.constant 0 : index
      %get3A_294 = tpu.vector_load %arg11[%get3A_292, %get3A_293] {strides = array<i32>} : memref<200x128xf32, #tpu.memory_space<vmem>>, vector<1x16xf32>,
      %get3A_295 = vector.shape_cast %get3A_294 : vector<1x16xf32> to vector<16xf32>
      %get3A_296 = arith.index_cast %scan3A_288 : i32 to index
      %get3A_297 = arith.constant 64 : index
      %get3A_298 = tpu.vector_load %arg11[%get3A_296, %get3A_297] {strides = array<i32>} : memref<200x128xf32, #tpu.memory_space<vmem>>, vector<1x16xf32>,
      %get3A_299 = vector.shape_cast %get3A_298 : vector<1x16xf32> to vector<16xf32>
      %sub3A = arith.subf %get3A_299, %get3A_295 : vector<16xf32>
      %mul3A_300 = arith.mulf %get3A_291, %sub3A : vector<16xf32>
      %add3A_301 = arith.addf %get3A_295, %mul3A_300 : vector<16xf32>
      %get3A_302 = arith.index_cast %scan3A_288 : i32 to index
      %get3A_303 = arith.constant 0 : index
      %get3A_304 = tpu.vector_load %arg14[%get3A_302, %get3A_303] {strides = array<i32>} : memref<200x64xf32, #tpu.memory_space<vmem>>, vector<1x16xf32>,
      %get3A_305 = vector.shape_cast %get3A_304 : vector<1x16xf32> to vector<16xf32>
      %add3A_306 = arith.addf %add3A_301, %get3A_305 : vector<16xf32>
      %swap3A = arith.index_cast %scan3A_288 : i32 to index
      %swap3A_307 = arith.constant 0 : index
      %swap3A_308 = tpu.vector_load %arg13[%swap3A, %swap3A_307] {strides = array<i32>} : memref<200x64xf32, #tpu.memory_space<vmem>>, vector<1x16xf32>,
      %swap3A_309 = vector.shape_cast %swap3A_308 : vector<1x16xf32> to vector<16xf32>
      %swap3A_310 = vector.shape_cast %add3A_306 : vector<16xf32> to vector<1x16xf32>
      tpu.vector_store %arg13[%swap3A, %swap3A_307], %swap3A_310 {strides = array<i32>} : memref<200x64xf32, #tpu.memory_space<vmem>>, vector<1x16xf32>,
      %get3A_311 = arith.index_cast %scan3A_288 : i32 to index
      %get3A_312 = arith.constant 16 : index
      %get3A_313 = tpu.vector_load %arg11[%get3A_311, %get3A_312] {strides = array<i32>} : memref<200x128xf32, #tpu.memory_space<vmem>>, vector<1x16xf32>,
      %get3A_314 = vector.shape_cast %get3A_313 : vector<1x16xf32> to vector<16xf32>
      %get3A_315 = arith.index_cast %scan3A_288 : i32 to index
      %get3A_316 = arith.constant 80 : index
      %get3A_317 = tpu.vector_load %arg11[%get3A_315, %get3A_316] {strides = array<i32>} : memref<200x128xf32, #tpu.memory_space<vmem>>, vector<1x16xf32>,
      %get3A_318 = vector.shape_cast %get3A_317 : vector<1x16xf32> to vector<16xf32>
      %sub3A_319 = arith.subf %get3A_318, %get3A_314 : vector<16xf32>
      %mul3A_320 = arith.mulf %get3A_291, %sub3A_319 : vector<16xf32>
      %add3A_321 = arith.addf %get3A_314, %mul3A_320 : vector<16xf32>
      %get3A_322 = arith.index_cast %scan3A_288 : i32 to index
      %get3A_323 = arith.constant 16 : index
      %get3A_324 = tpu.vector_load %arg14[%get3A_322, %get3A_323] {strides = array<i32>} : memref<200x64xf32, #tpu.memory_space<vmem>>, vector<1x16xf32>,
      %get3A_325 = vector.shape_cast %get3A_324 : vector<1x16xf32> to vector<16xf32>
      %add3A_326 = arith.addf %add3A_321, %get3A_325 : vector<16xf32>
      %swap3A_327 = arith.index_cast %scan3A_288 : i32 to index
      %swap3A_328 = arith.constant 16 : index
      %swap3A_329 = tpu.vector_load %arg13[%swap3A_327, %swap3A_328] {strides = array<i32>} : memref<200x64xf32, #tpu.memory_space<vmem>>, vector<1x16xf32>,
      %swap3A_330 = vector.shape_cast %swap3A_329 : vector<1x16xf32> to vector<16xf32>
      %swap3A_331 = vector.shape_cast %add3A_326 : vector<16xf32> to vector<1x16xf32>
      tpu.vector_store %arg13[%swap3A_327, %swap3A_328], %swap3A_331 {strides = array<i32>} : memref<200x64xf32, #tpu.memory_space<vmem>>, vector<1x16xf32>,
      %get3A_332 = arith.index_cast %scan3A_288 : i32 to index
      %get3A_333 = arith.constant 32 : index
      %get3A_334 = tpu.vector_load %arg11[%get3A_332, %get3A_333] {strides = array<i32>} : memref<200x128xf32, #tpu.memory_space<vmem>>, vector<1x16xf32>,
      %get3A_335 = vector.shape_cast %get3A_334 : vector<1x16xf32> to vector<16xf32>
      %get3A_336 = arith.index_cast %scan3A_288 : i32 to index
      %get3A_337 = arith.constant 96 : index
      %get3A_338 = tpu.vector_load %arg11[%get3A_336, %get3A_337] {strides = array<i32>} : memref<200x128xf32, #tpu.memory_space<vmem>>, vector<1x16xf32>,
      %get3A_339 = vector.shape_cast %get3A_338 : vector<1x16xf32> to vector<16xf32>
      %sub3A_340 = arith.subf %get3A_339, %get3A_335 : vector<16xf32>
      %mul3A_341 = arith.mulf %get3A_291, %sub3A_340 : vector<16xf32>
      %add3A_342 = arith.addf %get3A_335, %mul3A_341 : vector<16xf32>
      %get3A_343 = arith.index_cast %scan3A_288 : i32 to index
      %get3A_344 = arith.constant 32 : index
      %get3A_345 = tpu.vector_load %arg14[%get3A_343, %get3A_344] {strides = array<i32>} : memref<200x64xf32, #tpu.memory_space<vmem>>, vector<1x16xf32>,
      %get3A_346 = vector.shape_cast %get3A_345 : vector<1x16xf32> to vector<16xf32>
      %add3A_347 = arith.addf %add3A_342, %get3A_346 : vector<16xf32>
      %swap3A_348 = arith.index_cast %scan3A_288 : i32 to index
      %swap3A_349 = arith.constant 32 : index
      %swap3A_350 = tpu.vector_load %arg13[%swap3A_348, %swap3A_349] {strides = array<i32>} : memref<200x64xf32, #tpu.memory_space<vmem>>, vector<1x16xf32>,
      %swap3A_351 = vector.shape_cast %swap3A_350 : vector<1x16xf32> to vector<16xf32>
      %swap3A_352 = vector.shape_cast %add3A_347 : vector<16xf32> to vector<1x16xf32>
      tpu.vector_store %arg13[%swap3A_348, %swap3A_349], %swap3A_352 {strides = array<i32>} : memref<200x64xf32, #tpu.memory_space<vmem>>, vector<1x16xf32>,
      %get3A_353 = arith.index_cast %scan3A_288 : i32 to index
      %get3A_354 = arith.constant 48 : index
      %get3A_355 = tpu.vector_load %arg11[%get3A_353, %get3A_354] {strides = array<i32>} : memref<200x128xf32, #tpu.memory_space<vmem>>, vector<1x16xf32>,
      %get3A_356 = vector.shape_cast %get3A_355 : vector<1x16xf32> to vector<16xf32>
      %get3A_357 = arith.index_cast %scan3A_288 : i32 to index
      %get3A_358 = arith.constant 112 : index
      %get3A_359 = tpu.vector_load %arg11[%get3A_357, %get3A_358] {strides = array<i32>} : memref<200x128xf32, #tpu.memory_space<vmem>>, vector<1x16xf32>,
      %get3A_360 = vector.shape_cast %get3A_359 : vector<1x16xf32> to vector<16xf32>
      %sub3A_361 = arith.subf %get3A_360, %get3A_356 : vector<16xf32>
      %mul3A_362 = arith.mulf %get3A_291, %sub3A_361 : vector<16xf32>
      %add3A_363 = arith.addf %get3A_356, %mul3A_362 : vector<16xf32>
      %get3A_364 = arith.index_cast %scan3A_288 : i32 to index
      %get3A_365 = arith.constant 48 : index
      %get3A_366 = tpu.vector_load %arg14[%get3A_364, %get3A_365] {strides = array<i32>} : memref<200x64xf32, #tpu.memory_space<vmem>>, vector<1x16xf32>,
      %get3A_367 = vector.shape_cast %get3A_366 : vector<1x16xf32> to vector<16xf32>
      %add3A_368 = arith.addf %add3A_363, %get3A_367 : vector<16xf32>
      %swap3A_369 = arith.index_cast %scan3A_288 : i32 to index
      %swap3A_370 = arith.constant 48 : index
      %swap3A_371 = tpu.vector_load %arg13[%swap3A_369, %swap3A_370] {strides = array<i32>} : memref<200x64xf32, #tpu.memory_space<vmem>>, vector<1x16xf32>,
      %swap3A_372 = vector.shape_cast %swap3A_371 : vector<1x16xf32> to vector<16xf32>
      %swap3A_373 = vector.shape_cast %add3A_368 : vector<16xf32> to vector<1x16xf32>
      tpu.vector_store %arg13[%swap3A_369, %swap3A_370], %swap3A_373 {strides = array<i32>} : memref<200x64xf32, #tpu.memory_space<vmem>>, vector<1x16xf32>,
    }
    %scan3A_149 = arith.constant 200 : i32
    %add3A_150 = arith.constant 200 : i32
    %add3A_151 = arith.addi %mul3A_2, %add3A_150 : i32
    %dma_start3A_152 = arith.constant 0 : i32
    %dma_start3A_153 = tpu.memref_slice %arg6[%add3A_151, %dma_start3A_152] : memref<204800x64xf32, #tpu.memory_space<hbm>> -> memref<200x64xf32, #tpu.memory_space<hbm>>
    %dma_start3A_154 = arith.constant 0 : i32
    %dma_start3A_155 = tpu.memref_slice %arg6[%add3A_151, %dma_start3A_154] : memref<204800x64xf32, #tpu.memory_space<hbm>> -> memref<200x64xf32, #tpu.memory_space<hbm>>
    tpu.enqueue_dma source(%arg13 : memref<200x64xf32, #tpu.memory_space<vmem>>) target(%dma_start3A_155 : memref<200x64xf32, #tpu.memory_space<hbm>>) target_semaphore(%arg18 : memref<!tpu.dma_semaphore, #tpu.memory_space<semaphore_mem>>)
    %dma_start3A_156 = arith.constant 6 : i32
    %dma_start3A_157 = arith.constant 0 : i32
    %dma_start3A_158 = arith.constant 0 : i32
    %dma_start3A_159 = tpu.memref_slice %arg11[%dma_start3A_157, %dma_start3A_158] : memref<200x128xf32, #tpu.memory_space<vmem>> -> memref<100x128xf32, #tpu.memory_space<vmem>>
    %dma_start3A_160 = arith.constant 0 : i32
    %dma_start3A_161 = tpu.memref_slice %arg7[%dma_start3A_156, %dma_start3A_160] : memref<64x100xi32, #tpu.memory_space<vmem>> -> memref<1x100xi32, #tpu.memory_space<vmem>>
    %dma_start3A_162 = tpu.memref_squeeze %dma_start3A_161 : memref<1x100xi32, #tpu.memory_space<vmem>> -> memref<100xi32, #tpu.memory_space<vmem>>
    %dma_start3A_163 = arith.constant 0 : i32
    %dma_start3A_164 = arith.constant 0 : i32
    %dma_start3A_165 = tpu.memref_slice %arg4[%dma_start3A_163, %dma_start3A_164] : memref<500000x128xf32, #tpu.memory_space<hbm>> -> memref<500000x128xf32, #tpu.memory_space<hbm>>
    tpu.enqueue_indirect_dma source(%dma_start3A_165 : memref<500000x128xf32, #tpu.memory_space<hbm>>) target(%dma_start3A_159 : memref<100x128xf32, #tpu.memory_space<vmem>>) offsets(%dma_start3A_162 : memref<100xi32, #tpu.memory_space<vmem>>) semaphore(%arg16 : memref<!tpu.dma_semaphore, #tpu.memory_space<semaphore_mem>>)
    %dma_start3A_166 = arith.constant 7 : i32
    %dma_start3A_167 = arith.constant 100 : i32
    %dma_start3A_168 = arith.constant 0 : i32
    %dma_start3A_169 = tpu.memref_slice %arg11[%dma_start3A_167, %dma_start3A_168] : memref<200x128xf32, #tpu.memory_space<vmem>> -> memref<100x128xf32, #tpu.memory_space<vmem>>
    %dma_start3A_170 = arith.constant 0 : i32
    %dma_start3A_171 = tpu.memref_slice %arg7[%dma_start3A_166, %dma_start3A_170] : memref<64x100xi32, #tpu.memory_space<vmem>> -> memref<1x100xi32, #tpu.memory_space<vmem>>
    %dma_start3A_172 = tpu.memref_squeeze %dma_start3A_171 : memref<1x100xi32, #tpu.memory_space<vmem>> -> memref<100xi32, #tpu.memory_space<vmem>>
    %dma_start3A_173 = arith.constant 0 : i32
    %dma_start3A_174 = arith.constant 0 : i32
    %dma_start3A_175 = tpu.memref_slice %arg4[%dma_start3A_173, %dma_start3A_174] : memref<500000x128xf32, #tpu.memory_space<hbm>> -> memref<500000x128xf32, #tpu.memory_space<hbm>>
    tpu.enqueue_indirect_dma source(%dma_start3A_175 : memref<500000x128xf32, #tpu.memory_space<hbm>>) target(%dma_start3A_169 : memref<100x128xf32, #tpu.memory_space<vmem>>) offsets(%dma_start3A_172 : memref<100xi32, #tpu.memory_space<vmem>>) semaphore(%arg16 : memref<!tpu.dma_semaphore, #tpu.memory_space<semaphore_mem>>)
    %add3A_176 = arith.constant 600 : i32
    %add3A_177 = arith.addi %mul3A_2, %add3A_176 : i32
    %dma_start3A_178 = arith.constant 0 : i32
    %dma_start3A_179 = tpu.memref_slice %arg3[%add3A_177, %dma_start3A_178] : memref<204800x16xf32, #tpu.memory_space<hbm>> -> memref<200x16xf32, #tpu.memory_space<hbm>>
    %dma_start3A_180 = arith.constant 0 : i32
    %dma_start3A_181 = tpu.memref_slice %arg3[%add3A_177, %dma_start3A_180] : memref<204800x16xf32, #tpu.memory_space<hbm>> -> memref<200x16xf32, #tpu.memory_space<hbm>>
    tpu.enqueue_dma source(%dma_start3A_181 : memref<200x16xf32, #tpu.memory_space<hbm>>) target(%arg9 : memref<200x16xf32, #tpu.memory_space<vmem>>) target_semaphore(%arg16 : memref<!tpu.dma_semaphore, #tpu.memory_space<semaphore_mem>>)
    %scan3A_182 = arith.constant 0 : i32
    %scan3A_183 = arith.constant 1 : i32
    %scan3A_184 = arith.constant 14 : i32
    %scan3A_185 = arith.addi %scan3A_183, %scan3A_184 : i32
    %scan3A_186 = arith.constant 1 : i32
    scf.for %scan3A_288 = %scan3A_183 to %scan3A_185 step %scan3A_186  : i32 {
      %mul3A_289 = arith.constant 2 : i32
      %mul3A_290 = arith.muli %mul3A_289, %scan3A_288 : i32
      %mul3A_291 = arith.constant 2 : i32
      %mul3A_292 = arith.muli %mul3A_290, %mul3A_291 : i32
      %add3A_293 = arith.constant 0 : i32
      %add3A_294 = arith.addi %mul3A_292, %add3A_293 : i32
      %dma_wait3A_295 = arith.constant 0 : i32
      %dma_wait3A_296 = arith.constant 0 : i32
      %dma_wait3A_297 = tpu.memref_slice %arg10[%dma_wait3A_295, %dma_wait3A_296] : memref<200x128xf32, #tpu.memory_space<vmem>> -> memref<100x128xf32, #tpu.memory_space<vmem>>
      %dma_wait3A_298 = arith.constant 0 : i32
      %dma_wait3A_299 = tpu.memref_slice %arg7[%add3A_294, %dma_wait3A_298] : memref<64x100xi32, #tpu.memory_space<vmem>> -> memref<1x100xi32, #tpu.memory_space<vmem>>
      %dma_wait3A_300 = tpu.memref_squeeze %dma_wait3A_299 : memref<1x100xi32, #tpu.memory_space<vmem>> -> memref<100xi32, #tpu.memory_space<vmem>>
      %dma_wait3A_301 = arith.constant 0 : i32
      %dma_wait3A_302 = arith.constant 0 : i32
      %dma_wait3A_303 = tpu.memref_slice %arg4[%dma_wait3A_301, %dma_wait3A_302] : memref<500000x128xf32, #tpu.memory_space<hbm>> -> memref<500000x128xf32, #tpu.memory_space<hbm>>
      tpu.wait_indirect_dma semaphore(%arg15 : memref<!tpu.dma_semaphore, #tpu.memory_space<semaphore_mem>>) src(%dma_wait3A_303 : memref<500000x128xf32, #tpu.memory_space<hbm>>) dst(%dma_wait3A_297 : memref<100x128xf32, #tpu.memory_space<vmem>>)
      %mul3A_304 = arith.constant 2 : i32
      %mul3A_305 = arith.muli %mul3A_290, %mul3A_304 : i32
      %add3A_306 = arith.constant 1 : i32
      %add3A_307 = arith.addi %mul3A_305, %add3A_306 : i32
      %dma_wait3A_308 = arith.constant 100 : i32
      %dma_wait3A_309 = arith.constant 0 : i32
      %dma_wait3A_310 = tpu.memref_slice %arg10[%dma_wait3A_308, %dma_wait3A_309] : memref<200x128xf32, #tpu.memory_space<vmem>> -> memref<100x128xf32, #tpu.memory_space<vmem>>
      %dma_wait3A_311 = arith.constant 0 : i32
      %dma_wait3A_312 = tpu.memref_slice %arg7[%add3A_307, %dma_wait3A_311] : memref<64x100xi32, #tpu.memory_space<vmem>> -> memref<1x100xi32, #tpu.memory_space<vmem>>
      %dma_wait3A_313 = tpu.memref_squeeze %dma_wait3A_312 : memref<1x100xi32, #tpu.memory_space<vmem>> -> memref<100xi32, #tpu.memory_space<vmem>>
      %dma_wait3A_314 = arith.constant 0 : i32
      %dma_wait3A_315 = arith.constant 0 : i32
      %dma_wait3A_316 = tpu.memref_slice %arg4[%dma_wait3A_314, %dma_wait3A_315] : memref<500000x128xf32, #tpu.memory_space<hbm>> -> memref<500000x128xf32, #tpu.memory_space<hbm>>
      tpu.wait_indirect_dma semaphore(%arg15 : memref<!tpu.dma_semaphore, #tpu.memory_space<semaphore_mem>>) src(%dma_wait3A_316 : memref<500000x128xf32, #tpu.memory_space<hbm>>) dst(%dma_wait3A_310 : memref<100x128xf32, #tpu.memory_space<vmem>>)
      %mul3A_317 = arith.constant 200 : i32
      %mul3A_318 = arith.muli %mul3A_290, %mul3A_317 : i32
      %add3A_319 = arith.addi %mul3A_2, %mul3A_318 : i32
      %dma_wait3A_320 = arith.constant 0 : i32
      %dma_wait3A_321 = tpu.memref_slice %arg3[%add3A_319, %dma_wait3A_320] : memref<204800x16xf32, #tpu.memory_space<hbm>> -> memref<200x16xf32, #tpu.memory_space<hbm>>
      %dma_wait3A_322 = arith.constant 0 : i32
      %dma_wait3A_323 = tpu.memref_slice %arg3[%add3A_319, %dma_wait3A_322] : memref<204800x16xf32, #tpu.memory_space<hbm>> -> memref<200x16xf32, #tpu.memory_space<hbm>>
      tpu.wait_dma2 semaphore(%arg15 : memref<!tpu.dma_semaphore, #tpu.memory_space<semaphore_mem>>) src(%dma_wait3A_323 : memref<200x16xf32, #tpu.memory_space<hbm>>) dst(%arg8 : memref<200x16xf32, #tpu.memory_space<vmem>>)
      %sub3A = arith.constant 2 : i32
      %sub3A_324 = arith.subi %mul3A_290, %sub3A : i32
      %mul3A_325 = arith.constant 200 : i32
      %mul3A_326 = arith.muli %sub3A_324, %mul3A_325 : i32
      %add3A_327 = arith.addi %mul3A_2, %mul3A_326 : i32
      %dma_wait3A_328 = arith.constant 0 : i32
      %dma_wait3A_329 = tpu.memref_slice %arg6[%add3A_327, %dma_wait3A_328] : memref<204800x64xf32, #tpu.memory_space<hbm>> -> memref<200x64xf32, #tpu.memory_space<hbm>>
      %dma_wait3A_330 = arith.constant 0 : i32
      %dma_wait3A_331 = tpu.memref_slice %arg6[%add3A_327, %dma_wait3A_330] : memref<204800x64xf32, #tpu.memory_space<hbm>> -> memref<200x64xf32, #tpu.memory_space<hbm>>
      tpu.wait_dma2 semaphore(%arg17 : memref<!tpu.dma_semaphore, #tpu.memory_space<semaphore_mem>>) src(%arg12 : memref<200x64xf32, #tpu.memory_space<vmem>>) dst(%dma_wait3A_331 : memref<200x64xf32, #tpu.memory_space<hbm>>)
      %scan3A_332 = arith.constant 0 : i32
      %scan3A_333 = arith.constant 0 : i32
      %scan3A_334 = arith.constant 200 : i32
      %scan3A_335 = arith.addi %scan3A_333, %scan3A_334 : i32
      %scan3A_336 = arith.constant 1 : i32
      scf.for %scan3A_474 = %scan3A_333 to %scan3A_335 step %scan3A_336  : i32 {
        %get3A = arith.index_cast %scan3A_474 : i32 to index
        %get3A_475 = arith.constant 0 : index
        %get3A_476 = tpu.vector_load %arg8[%get3A, %get3A_475] {strides = array<i32>} : memref<200x16xf32, #tpu.memory_space<vmem>>, vector<1x16xf32>,
        %get3A_477 = vector.shape_cast %get3A_476 : vector<1x16xf32> to vector<16xf32>
        %get3A_478 = arith.index_cast %scan3A_474 : i32 to index
        %get3A_479 = arith.constant 0 : index
        %get3A_480 = tpu.vector_load %arg10[%get3A_478, %get3A_479] {strides = array<i32>} : memref<200x128xf32, #tpu.memory_space<vmem>>, vector<1x16xf32>,
        %get3A_481 = vector.shape_cast %get3A_480 : vector<1x16xf32> to vector<16xf32>
        %get3A_482 = arith.index_cast %scan3A_474 : i32 to index
        %get3A_483 = arith.constant 64 : index
        %get3A_484 = tpu.vector_load %arg10[%get3A_482, %get3A_483] {strides = array<i32>} : memref<200x128xf32, #tpu.memory_space<vmem>>, vector<1x16xf32>,
        %get3A_485 = vector.shape_cast %get3A_484 : vector<1x16xf32> to vector<16xf32>
        %sub3A_486 = arith.subf %get3A_485, %get3A_481 : vector<16xf32>
        %mul3A_487 = arith.mulf %get3A_477, %sub3A_486 : vector<16xf32>
        %add3A_488 = arith.addf %get3A_481, %mul3A_487 : vector<16xf32>
        %get3A_489 = arith.index_cast %scan3A_474 : i32 to index
        %get3A_490 = arith.constant 0 : index
        %get3A_491 = tpu.vector_load %arg14[%get3A_489, %get3A_490] {strides = array<i32>} : memref<200x64xf32, #tpu.memory_space<vmem>>, vector<1x16xf32>,
        %get3A_492 = vector.shape_cast %get3A_491 : vector<1x16xf32> to vector<16xf32>
        %add3A_493 = arith.addf %add3A_488, %get3A_492 : vector<16xf32>
        %swap3A = arith.index_cast %scan3A_474 : i32 to index
        %swap3A_494 = arith.constant 0 : index
        %swap3A_495 = tpu.vector_load %arg12[%swap3A, %swap3A_494] {strides = array<i32>} : memref<200x64xf32, #tpu.memory_space<vmem>>, vector<1x16xf32>,
        %swap3A_496 = vector.shape_cast %swap3A_495 : vector<1x16xf32> to vector<16xf32>
        %swap3A_497 = vector.shape_cast %add3A_493 : vector<16xf32> to vector<1x16xf32>
        tpu.vector_store %arg12[%swap3A, %swap3A_494], %swap3A_497 {strides = array<i32>} : memref<200x64xf32, #tpu.memory_space<vmem>>, vector<1x16xf32>,
        %get3A_498 = arith.index_cast %scan3A_474 : i32 to index
        %get3A_499 = arith.constant 16 : index
        %get3A_500 = tpu.vector_load %arg10[%get3A_498, %get3A_499] {strides = array<i32>} : memref<200x128xf32, #tpu.memory_space<vmem>>, vector<1x16xf32>,
        %get3A_501 = vector.shape_cast %get3A_500 : vector<1x16xf32> to vector<16xf32>
        %get3A_502 = arith.index_cast %scan3A_474 : i32 to index
        %get3A_503 = arith.constant 80 : index
        %get3A_504 = tpu.vector_load %arg10[%get3A_502, %get3A_503] {strides = array<i32>} : memref<200x128xf32, #tpu.memory_space<vmem>>, vector<1x16xf32>,
        %get3A_505 = vector.shape_cast %get3A_504 : vector<1x16xf32> to vector<16xf32>
        %sub3A_506 = arith.subf %get3A_505, %get3A_501 : vector<16xf32>
        %mul3A_507 = arith.mulf %get3A_477, %sub3A_506 : vector<16xf32>
        %add3A_508 = arith.addf %get3A_501, %mul3A_507 : vector<16xf32>
        %get3A_509 = arith.index_cast %scan3A_474 : i32 to index
        %get3A_510 = arith.constant 16 : index
        %get3A_511 = tpu.vector_load %arg14[%get3A_509, %get3A_510] {strides = array<i32>} : memref<200x64xf32, #tpu.memory_space<vmem>>, vector<1x16xf32>,
        %get3A_512 = vector.shape_cast %get3A_511 : vector<1x16xf32> to vector<16xf32>
        %add3A_513 = arith.addf %add3A_508, %get3A_512 : vector<16xf32>
        %swap3A_514 = arith.index_cast %scan3A_474 : i32 to index
        %swap3A_515 = arith.constant 16 : index
        %swap3A_516 = tpu.vector_load %arg12[%swap3A_514, %swap3A_515] {strides = array<i32>} : memref<200x64xf32, #tpu.memory_space<vmem>>, vector<1x16xf32>,
        %swap3A_517 = vector.shape_cast %swap3A_516 : vector<1x16xf32> to vector<16xf32>
        %swap3A_518 = vector.shape_cast %add3A_513 : vector<16xf32> to vector<1x16xf32>
        tpu.vector_store %arg12[%swap3A_514, %swap3A_515], %swap3A_518 {strides = array<i32>} : memref<200x64xf32, #tpu.memory_space<vmem>>, vector<1x16xf32>,
        %get3A_519 = arith.index_cast %scan3A_474 : i32 to index
        %get3A_520 = arith.constant 32 : index
        %get3A_521 = tpu.vector_load %arg10[%get3A_519, %get3A_520] {strides = array<i32>} : memref<200x128xf32, #tpu.memory_space<vmem>>, vector<1x16xf32>,
        %get3A_522 = vector.shape_cast %get3A_521 : vector<1x16xf32> to vector<16xf32>
        %get3A_523 = arith.index_cast %scan3A_474 : i32 to index
        %get3A_524 = arith.constant 96 : index
        %get3A_525 = tpu.vector_load %arg10[%get3A_523, %get3A_524] {strides = array<i32>} : memref<200x128xf32, #tpu.memory_space<vmem>>, vector<1x16xf32>,
        %get3A_526 = vector.shape_cast %get3A_525 : vector<1x16xf32> to vector<16xf32>
        %sub3A_527 = arith.subf %get3A_526, %get3A_522 : vector<16xf32>
        %mul3A_528 = arith.mulf %get3A_477, %sub3A_527 : vector<16xf32>
        %add3A_529 = arith.addf %get3A_522, %mul3A_528 : vector<16xf32>
        %get3A_530 = arith.index_cast %scan3A_474 : i32 to index
        %get3A_531 = arith.constant 32 : index
        %get3A_532 = tpu.vector_load %arg14[%get3A_530, %get3A_531] {strides = array<i32>} : memref<200x64xf32, #tpu.memory_space<vmem>>, vector<1x16xf32>,
        %get3A_533 = vector.shape_cast %get3A_532 : vector<1x16xf32> to vector<16xf32>
        %add3A_534 = arith.addf %add3A_529, %get3A_533 : vector<16xf32>
        %swap3A_535 = arith.index_cast %scan3A_474 : i32 to index
        %swap3A_536 = arith.constant 32 : index
        %swap3A_537 = tpu.vector_load %arg12[%swap3A_535, %swap3A_536] {strides = array<i32>} : memref<200x64xf32, #tpu.memory_space<vmem>>, vector<1x16xf32>,
        %swap3A_538 = vector.shape_cast %swap3A_537 : vector<1x16xf32> to vector<16xf32>
        %swap3A_539 = vector.shape_cast %add3A_534 : vector<16xf32> to vector<1x16xf32>
        tpu.vector_store %arg12[%swap3A_535, %swap3A_536], %swap3A_539 {strides = array<i32>} : memref<200x64xf32, #tpu.memory_space<vmem>>, vector<1x16xf32>,
        %get3A_540 = arith.index_cast %scan3A_474 : i32 to index
        %get3A_541 = arith.constant 48 : index
        %get3A_542 = tpu.vector_load %arg10[%get3A_540, %get3A_541] {strides = array<i32>} : memref<200x128xf32, #tpu.memory_space<vmem>>, vector<1x16xf32>,
        %get3A_543 = vector.shape_cast %get3A_542 : vector<1x16xf32> to vector<16xf32>
        %get3A_544 = arith.index_cast %scan3A_474 : i32 to index
        %get3A_545 = arith.constant 112 : index
        %get3A_546 = tpu.vector_load %arg10[%get3A_544, %get3A_545] {strides = array<i32>} : memref<200x128xf32, #tpu.memory_space<vmem>>, vector<1x16xf32>,
        %get3A_547 = vector.shape_cast %get3A_546 : vector<1x16xf32> to vector<16xf32>
        %sub3A_548 = arith.subf %get3A_547, %get3A_543 : vector<16xf32>
        %mul3A_549 = arith.mulf %get3A_477, %sub3A_548 : vector<16xf32>
        %add3A_550 = arith.addf %get3A_543, %mul3A_549 : vector<16xf32>
        %get3A_551 = arith.index_cast %scan3A_474 : i32 to index
        %get3A_552 = arith.constant 48 : index
        %get3A_553 = tpu.vector_load %arg14[%get3A_551, %get3A_552] {strides = array<i32>} : memref<200x64xf32, #tpu.memory_space<vmem>>, vector<1x16xf32>,
        %get3A_554 = vector.shape_cast %get3A_553 : vector<1x16xf32> to vector<16xf32>
        %add3A_555 = arith.addf %add3A_550, %get3A_554 : vector<16xf32>
        %swap3A_556 = arith.index_cast %scan3A_474 : i32 to index
        %swap3A_557 = arith.constant 48 : index
        %swap3A_558 = tpu.vector_load %arg12[%swap3A_556, %swap3A_557] {strides = array<i32>} : memref<200x64xf32, #tpu.memory_space<vmem>>, vector<1x16xf32>,
        %swap3A_559 = vector.shape_cast %swap3A_558 : vector<1x16xf32> to vector<16xf32>
        %swap3A_560 = vector.shape_cast %add3A_555 : vector<16xf32> to vector<1x16xf32>
        tpu.vector_store %arg12[%swap3A_556, %swap3A_557], %swap3A_560 {strides = array<i32>} : memref<200x64xf32, #tpu.memory_space<vmem>>, vector<1x16xf32>,
      }
      %scan3A_337 = arith.constant 200 : i32
      %mul3A_338 = arith.constant 200 : i32
      %mul3A_339 = arith.muli %mul3A_290, %mul3A_338 : i32
      %add3A_340 = arith.addi %mul3A_2, %mul3A_339 : i32
      %dma_start3A_341 = arith.constant 0 : i32
      %dma_start3A_342 = tpu.memref_slice %arg6[%add3A_340, %dma_start3A_341] : memref<204800x64xf32, #tpu.memory_space<hbm>> -> memref<200x64xf32, #tpu.memory_space<hbm>>
      %dma_start3A_343 = arith.constant 0 : i32
      %dma_start3A_344 = tpu.memref_slice %arg6[%add3A_340, %dma_start3A_343] : memref<204800x64xf32, #tpu.memory_space<hbm>> -> memref<200x64xf32, #tpu.memory_space<hbm>>
      tpu.enqueue_dma source(%arg12 : memref<200x64xf32, #tpu.memory_space<vmem>>) target(%dma_start3A_344 : memref<200x64xf32, #tpu.memory_space<hbm>>) target_semaphore(%arg17 : memref<!tpu.dma_semaphore, #tpu.memory_space<semaphore_mem>>)
      %add3A_345 = arith.constant 2 : i32
      %add3A_346 = arith.addi %mul3A_290, %add3A_345 : i32
      %mul3A_347 = arith.constant 2 : i32
      %mul3A_348 = arith.muli %add3A_346, %mul3A_347 : i32
      %add3A_349 = arith.constant 0 : i32
      %add3A_350 = arith.addi %mul3A_348, %add3A_349 : i32
      %dma_start3A_351 = arith.constant 0 : i32
      %dma_start3A_352 = arith.constant 0 : i32
      %dma_start3A_353 = tpu.memref_slice %arg10[%dma_start3A_351, %dma_start3A_352] : memref<200x128xf32, #tpu.memory_space<vmem>> -> memref<100x128xf32, #tpu.memory_space<vmem>>
      %dma_start3A_354 = arith.constant 0 : i32
      %dma_start3A_355 = tpu.memref_slice %arg7[%add3A_350, %dma_start3A_354] : memref<64x100xi32, #tpu.memory_space<vmem>> -> memref<1x100xi32, #tpu.memory_space<vmem>>
      %dma_start3A_356 = tpu.memref_squeeze %dma_start3A_355 : memref<1x100xi32, #tpu.memory_space<vmem>> -> memref<100xi32, #tpu.memory_space<vmem>>
      %dma_start3A_357 = arith.constant 0 : i32
      %dma_start3A_358 = arith.constant 0 : i32
      %dma_start3A_359 = tpu.memref_slice %arg4[%dma_start3A_357, %dma_start3A_358] : memref<500000x128xf32, #tpu.memory_space<hbm>> -> memref<500000x128xf32, #tpu.memory_space<hbm>>
      tpu.enqueue_indirect_dma source(%dma_start3A_359 : memref<500000x128xf32, #tpu.memory_space<hbm>>) target(%dma_start3A_353 : memref<100x128xf32, #tpu.memory_space<vmem>>) offsets(%dma_start3A_356 : memref<100xi32, #tpu.memory_space<vmem>>) semaphore(%arg15 : memref<!tpu.dma_semaphore, #tpu.memory_space<semaphore_mem>>)
      %mul3A_360 = arith.constant 2 : i32
      %mul3A_361 = arith.muli %add3A_346, %mul3A_360 : i32
      %add3A_362 = arith.constant 1 : i32
      %add3A_363 = arith.addi %mul3A_361, %add3A_362 : i32
      %dma_start3A_364 = arith.constant 100 : i32
      %dma_start3A_365 = arith.constant 0 : i32
      %dma_start3A_366 = tpu.memref_slice %arg10[%dma_start3A_364, %dma_start3A_365] : memref<200x128xf32, #tpu.memory_space<vmem>> -> memref<100x128xf32, #tpu.memory_space<vmem>>
      %dma_start3A_367 = arith.constant 0 : i32
      %dma_start3A_368 = tpu.memref_slice %arg7[%add3A_363, %dma_start3A_367] : memref<64x100xi32, #tpu.memory_space<vmem>> -> memref<1x100xi32, #tpu.memory_space<vmem>>
      %dma_start3A_369 = tpu.memref_squeeze %dma_start3A_368 : memref<1x100xi32, #tpu.memory_space<vmem>> -> memref<100xi32, #tpu.memory_space<vmem>>
      %dma_start3A_370 = arith.constant 0 : i32
      %dma_start3A_371 = arith.constant 0 : i32
      %dma_start3A_372 = tpu.memref_slice %arg4[%dma_start3A_370, %dma_start3A_371] : memref<500000x128xf32, #tpu.memory_space<hbm>> -> memref<500000x128xf32, #tpu.memory_space<hbm>>
      tpu.enqueue_indirect_dma source(%dma_start3A_372 : memref<500000x128xf32, #tpu.memory_space<hbm>>) target(%dma_start3A_366 : memref<100x128xf32, #tpu.memory_space<vmem>>) offsets(%dma_start3A_369 : memref<100xi32, #tpu.memory_space<vmem>>) semaphore(%arg15 : memref<!tpu.dma_semaphore, #tpu.memory_space<semaphore_mem>>)
      %mul3A_373 = arith.constant 200 : i32
      %mul3A_374 = arith.muli %add3A_346, %mul3A_373 : i32
      %add3A_375 = arith.addi %mul3A_2, %mul3A_374 : i32
      %dma_start3A_376 = arith.constant 0 : i32
      %dma_start3A_377 = tpu.memref_slice %arg3[%add3A_375, %dma_start3A_376] : memref<204800x16xf32, #tpu.memory_space<hbm>> -> memref<200x16xf32, #tpu.memory_space<hbm>>
      %dma_start3A_378 = arith.constant 0 : i32
      %dma_start3A_379 = tpu.memref_slice %arg3[%add3A_375, %dma_start3A_378] : memref<204800x16xf32, #tpu.memory_space<hbm>> -> memref<200x16xf32, #tpu.memory_space<hbm>>
      tpu.enqueue_dma source(%dma_start3A_379 : memref<200x16xf32, #tpu.memory_space<hbm>>) target(%arg8 : memref<200x16xf32, #tpu.memory_space<vmem>>) target_semaphore(%arg15 : memref<!tpu.dma_semaphore, #tpu.memory_space<semaphore_mem>>)
      %add3A_380 = arith.constant 1 : i32
      %add3A_381 = arith.addi %mul3A_290, %add3A_380 : i32
      %mul3A_382 = arith.constant 2 : i32
      %mul3A_383 = arith.muli %add3A_381, %mul3A_382 : i32
      %add3A_384 = arith.constant 0 : i32
      %add3A_385 = arith.addi %mul3A_383, %add3A_384 : i32
      %dma_wait3A_386 = arith.constant 0 : i32
      %dma_wait3A_387 = arith.constant 0 : i32
      %dma_wait3A_388 = tpu.memref_slice %arg11[%dma_wait3A_386, %dma_wait3A_387] : memref<200x128xf32, #tpu.memory_space<vmem>> -> memref<100x128xf32, #tpu.memory_space<vmem>>
      %dma_wait3A_389 = arith.constant 0 : i32
      %dma_wait3A_390 = tpu.memref_slice %arg7[%add3A_385, %dma_wait3A_389] : memref<64x100xi32, #tpu.memory_space<vmem>> -> memref<1x100xi32, #tpu.memory_space<vmem>>
      %dma_wait3A_391 = tpu.memref_squeeze %dma_wait3A_390 : memref<1x100xi32, #tpu.memory_space<vmem>> -> memref<100xi32, #tpu.memory_space<vmem>>
      %dma_wait3A_392 = arith.constant 0 : i32
      %dma_wait3A_393 = arith.constant 0 : i32
      %dma_wait3A_394 = tpu.memref_slice %arg4[%dma_wait3A_392, %dma_wait3A_393] : memref<500000x128xf32, #tpu.memory_space<hbm>> -> memref<500000x128xf32, #tpu.memory_space<hbm>>
      tpu.wait_indirect_dma semaphore(%arg16 : memref<!tpu.dma_semaphore, #tpu.memory_space<semaphore_mem>>) src(%dma_wait3A_394 : memref<500000x128xf32, #tpu.memory_space<hbm>>) dst(%dma_wait3A_388 : memref<100x128xf32, #tpu.memory_space<vmem>>)
      %mul3A_395 = arith.constant 2 : i32
      %mul3A_396 = arith.muli %add3A_381, %mul3A_395 : i32
      %add3A_397 = arith.constant 1 : i32
      %add3A_398 = arith.addi %mul3A_396, %add3A_397 : i32
      %dma_wait3A_399 = arith.constant 100 : i32
      %dma_wait3A_400 = arith.constant 0 : i32
      %dma_wait3A_401 = tpu.memref_slice %arg11[%dma_wait3A_399, %dma_wait3A_400] : memref<200x128xf32, #tpu.memory_space<vmem>> -> memref<100x128xf32, #tpu.memory_space<vmem>>
      %dma_wait3A_402 = arith.constant 0 : i32
      %dma_wait3A_403 = tpu.memref_slice %arg7[%add3A_398, %dma_wait3A_402] : memref<64x100xi32, #tpu.memory_space<vmem>> -> memref<1x100xi32, #tpu.memory_space<vmem>>
      %dma_wait3A_404 = tpu.memref_squeeze %dma_wait3A_403 : memref<1x100xi32, #tpu.memory_space<vmem>> -> memref<100xi32, #tpu.memory_space<vmem>>
      %dma_wait3A_405 = arith.constant 0 : i32
      %dma_wait3A_406 = arith.constant 0 : i32
      %dma_wait3A_407 = tpu.memref_slice %arg4[%dma_wait3A_405, %dma_wait3A_406] : memref<500000x128xf32, #tpu.memory_space<hbm>> -> memref<500000x128xf32, #tpu.memory_space<hbm>>
      tpu.wait_indirect_dma semaphore(%arg16 : memref<!tpu.dma_semaphore, #tpu.memory_space<semaphore_mem>>) src(%dma_wait3A_407 : memref<500000x128xf32, #tpu.memory_space<hbm>>) dst(%dma_wait3A_401 : memref<100x128xf32, #tpu.memory_space<vmem>>)
      %mul3A_408 = arith.constant 200 : i32
      %mul3A_409 = arith.muli %add3A_381, %mul3A_408 : i32
      %add3A_410 = arith.addi %mul3A_2, %mul3A_409 : i32
      %dma_wait3A_411 = arith.constant 0 : i32
      %dma_wait3A_412 = tpu.memref_slice %arg3[%add3A_410, %dma_wait3A_411] : memref<204800x16xf32, #tpu.memory_space<hbm>> -> memref<200x16xf32, #tpu.memory_space<hbm>>
      %dma_wait3A_413 = arith.constant 0 : i32
      %dma_wait3A_414 = tpu.memref_slice %arg3[%add3A_410, %dma_wait3A_413] : memref<204800x16xf32, #tpu.memory_space<hbm>> -> memref<200x16xf32, #tpu.memory_space<hbm>>
      tpu.wait_dma2 semaphore(%arg16 : memref<!tpu.dma_semaphore, #tpu.memory_space<semaphore_mem>>) src(%dma_wait3A_414 : memref<200x16xf32, #tpu.memory_space<hbm>>) dst(%arg9 : memref<200x16xf32, #tpu.memory_space<vmem>>)
      %sub3A_415 = arith.constant 1 : i32
      %sub3A_416 = arith.subi %mul3A_290, %sub3A_415 : i32
      %mul3A_417 = arith.constant 200 : i32
      %mul3A_418 = arith.muli %sub3A_416, %mul3A_417 : i32
      %add3A_419 = arith.addi %mul3A_2, %mul3A_418 : i32
      %dma_wait3A_420 = arith.constant 0 : i32
      %dma_wait3A_421 = tpu.memref_slice %arg6[%add3A_419, %dma_wait3A_420] : memref<204800x64xf32, #tpu.memory_space<hbm>> -> memref<200x64xf32, #tpu.memory_space<hbm>>
      %dma_wait3A_422 = arith.constant 0 : i32
      %dma_wait3A_423 = tpu.memref_slice %arg6[%add3A_419, %dma_wait3A_422] : memref<204800x64xf32, #tpu.memory_space<hbm>> -> memref<200x64xf32, #tpu.memory_space<hbm>>
      tpu.wait_dma2 semaphore(%arg18 : memref<!tpu.dma_semaphore, #tpu.memory_space<semaphore_mem>>) src(%arg13 : memref<200x64xf32, #tpu.memory_space<vmem>>) dst(%dma_wait3A_423 : memref<200x64xf32, #tpu.memory_space<hbm>>)
      %scan3A_424 = arith.constant 0 : i32
      %scan3A_425 = arith.constant 0 : i32
      %scan3A_426 = arith.constant 200 : i32
      %scan3A_427 = arith.addi %scan3A_425, %scan3A_426 : i32
      %scan3A_428 = arith.constant 1 : i32
      scf.for %scan3A_474 = %scan3A_425 to %scan3A_427 step %scan3A_428  : i32 {
        %get3A = arith.index_cast %scan3A_474 : i32 to index
        %get3A_475 = arith.constant 0 : index
        %get3A_476 = tpu.vector_load %arg9[%get3A, %get3A_475] {strides = array<i32>} : memref<200x16xf32, #tpu.memory_space<vmem>>, vector<1x16xf32>,
        %get3A_477 = vector.shape_cast %get3A_476 : vector<1x16xf32> to vector<16xf32>
        %get3A_478 = arith.index_cast %scan3A_474 : i32 to index
        %get3A_479 = arith.constant 0 : index
        %get3A_480 = tpu.vector_load %arg11[%get3A_478, %get3A_479] {strides = array<i32>} : memref<200x128xf32, #tpu.memory_space<vmem>>, vector<1x16xf32>,
        %get3A_481 = vector.shape_cast %get3A_480 : vector<1x16xf32> to vector<16xf32>
        %get3A_482 = arith.index_cast %scan3A_474 : i32 to index
        %get3A_483 = arith.constant 64 : index
        %get3A_484 = tpu.vector_load %arg11[%get3A_482, %get3A_483] {strides = array<i32>} : memref<200x128xf32, #tpu.memory_space<vmem>>, vector<1x16xf32>,
        %get3A_485 = vector.shape_cast %get3A_484 : vector<1x16xf32> to vector<16xf32>
        %sub3A_486 = arith.subf %get3A_485, %get3A_481 : vector<16xf32>
        %mul3A_487 = arith.mulf %get3A_477, %sub3A_486 : vector<16xf32>
        %add3A_488 = arith.addf %get3A_481, %mul3A_487 : vector<16xf32>
        %get3A_489 = arith.index_cast %scan3A_474 : i32 to index
        %get3A_490 = arith.constant 0 : index
        %get3A_491 = tpu.vector_load %arg14[%get3A_489, %get3A_490] {strides = array<i32>} : memref<200x64xf32, #tpu.memory_space<vmem>>, vector<1x16xf32>,
        %get3A_492 = vector.shape_cast %get3A_491 : vector<1x16xf32> to vector<16xf32>
        %add3A_493 = arith.addf %add3A_488, %get3A_492 : vector<16xf32>
        %swap3A = arith.index_cast %scan3A_474 : i32 to index
        %swap3A_494 = arith.constant 0 : index
        %swap3A_495 = tpu.vector_load %arg13[%swap3A, %swap3A_494] {strides = array<i32>} : memref<200x64xf32, #tpu.memory_space<vmem>>, vector<1x16xf32>,
        %swap3A_496 = vector.shape_cast %swap3A_495 : vector<1x16xf32> to vector<16xf32>
        %swap3A_497 = vector.shape_cast %add3A_493 : vector<16xf32> to vector<1x16xf32>
        tpu.vector_store %arg13[%swap3A, %swap3A_494], %swap3A_497 {strides = array<i32>} : memref<200x64xf32, #tpu.memory_space<vmem>>, vector<1x16xf32>,
        %get3A_498 = arith.index_cast %scan3A_474 : i32 to index
        %get3A_499 = arith.constant 16 : index
        %get3A_500 = tpu.vector_load %arg11[%get3A_498, %get3A_499] {strides = array<i32>} : memref<200x128xf32, #tpu.memory_space<vmem>>, vector<1x16xf32>,
        %get3A_501 = vector.shape_cast %get3A_500 : vector<1x16xf32> to vector<16xf32>
        %get3A_502 = arith.index_cast %scan3A_474 : i32 to index
        %get3A_503 = arith.constant 80 : index
        %get3A_504 = tpu.vector_load %arg11[%get3A_502, %get3A_503] {strides = array<i32>} : memref<200x128xf32, #tpu.memory_space<vmem>>, vector<1x16xf32>,
        %get3A_505 = vector.shape_cast %get3A_504 : vector<1x16xf32> to vector<16xf32>
        %sub3A_506 = arith.subf %get3A_505, %get3A_501 : vector<16xf32>
        %mul3A_507 = arith.mulf %get3A_477, %sub3A_506 : vector<16xf32>
        %add3A_508 = arith.addf %get3A_501, %mul3A_507 : vector<16xf32>
        %get3A_509 = arith.index_cast %scan3A_474 : i32 to index
        %get3A_510 = arith.constant 16 : index
        %get3A_511 = tpu.vector_load %arg14[%get3A_509, %get3A_510] {strides = array<i32>} : memref<200x64xf32, #tpu.memory_space<vmem>>, vector<1x16xf32>,
        %get3A_512 = vector.shape_cast %get3A_511 : vector<1x16xf32> to vector<16xf32>
        %add3A_513 = arith.addf %add3A_508, %get3A_512 : vector<16xf32>
        %swap3A_514 = arith.index_cast %scan3A_474 : i32 to index
        %swap3A_515 = arith.constant 16 : index
        %swap3A_516 = tpu.vector_load %arg13[%swap3A_514, %swap3A_515] {strides = array<i32>} : memref<200x64xf32, #tpu.memory_space<vmem>>, vector<1x16xf32>,
        %swap3A_517 = vector.shape_cast %swap3A_516 : vector<1x16xf32> to vector<16xf32>
        %swap3A_518 = vector.shape_cast %add3A_513 : vector<16xf32> to vector<1x16xf32>
        tpu.vector_store %arg13[%swap3A_514, %swap3A_515], %swap3A_518 {strides = array<i32>} : memref<200x64xf32, #tpu.memory_space<vmem>>, vector<1x16xf32>,
        %get3A_519 = arith.index_cast %scan3A_474 : i32 to index
        %get3A_520 = arith.constant 32 : index
        %get3A_521 = tpu.vector_load %arg11[%get3A_519, %get3A_520] {strides = array<i32>} : memref<200x128xf32, #tpu.memory_space<vmem>>, vector<1x16xf32>,
        %get3A_522 = vector.shape_cast %get3A_521 : vector<1x16xf32> to vector<16xf32>
        %get3A_523 = arith.index_cast %scan3A_474 : i32 to index
        %get3A_524 = arith.constant 96 : index
        %get3A_525 = tpu.vector_load %arg11[%get3A_523, %get3A_524] {strides = array<i32>} : memref<200x128xf32, #tpu.memory_space<vmem>>, vector<1x16xf32>,
        %get3A_526 = vector.shape_cast %get3A_525 : vector<1x16xf32> to vector<16xf32>
        %sub3A_527 = arith.subf %get3A_526, %get3A_522 : vector<16xf32>
        %mul3A_528 = arith.mulf %get3A_477, %sub3A_527 : vector<16xf32>
        %add3A_529 = arith.addf %get3A_522, %mul3A_528 : vector<16xf32>
        %get3A_530 = arith.index_cast %scan3A_474 : i32 to index
        %get3A_531 = arith.constant 32 : index
        %get3A_532 = tpu.vector_load %arg14[%get3A_530, %get3A_531] {strides = array<i32>} : memref<200x64xf32, #tpu.memory_space<vmem>>, vector<1x16xf32>,
        %get3A_533 = vector.shape_cast %get3A_532 : vector<1x16xf32> to vector<16xf32>
        %add3A_534 = arith.addf %add3A_529, %get3A_533 : vector<16xf32>
        %swap3A_535 = arith.index_cast %scan3A_474 : i32 to index
        %swap3A_536 = arith.constant 32 : index
        %swap3A_537 = tpu.vector_load %arg13[%swap3A_535, %swap3A_536] {strides = array<i32>} : memref<200x64xf32, #tpu.memory_space<vmem>>, vector<1x16xf32>,
        %swap3A_538 = vector.shape_cast %swap3A_537 : vector<1x16xf32> to vector<16xf32>
        %swap3A_539 = vector.shape_cast %add3A_534 : vector<16xf32> to vector<1x16xf32>
        tpu.vector_store %arg13[%swap3A_535, %swap3A_536], %swap3A_539 {strides = array<i32>} : memref<200x64xf32, #tpu.memory_space<vmem>>, vector<1x16xf32>,
        %get3A_540 = arith.index_cast %scan3A_474 : i32 to index
        %get3A_541 = arith.constant 48 : index
        %get3A_542 = tpu.vector_load %arg11[%get3A_540, %get3A_541] {strides = array<i32>} : memref<200x128xf32, #tpu.memory_space<vmem>>, vector<1x16xf32>,
        %get3A_543 = vector.shape_cast %get3A_542 : vector<1x16xf32> to vector<16xf32>
        %get3A_544 = arith.index_cast %scan3A_474 : i32 to index
        %get3A_545 = arith.constant 112 : index
        %get3A_546 = tpu.vector_load %arg11[%get3A_544, %get3A_545] {strides = array<i32>} : memref<200x128xf32, #tpu.memory_space<vmem>>, vector<1x16xf32>,
        %get3A_547 = vector.shape_cast %get3A_546 : vector<1x16xf32> to vector<16xf32>
        %sub3A_548 = arith.subf %get3A_547, %get3A_543 : vector<16xf32>
        %mul3A_549 = arith.mulf %get3A_477, %sub3A_548 : vector<16xf32>
        %add3A_550 = arith.addf %get3A_543, %mul3A_549 : vector<16xf32>
        %get3A_551 = arith.index_cast %scan3A_474 : i32 to index
        %get3A_552 = arith.constant 48 : index
        %get3A_553 = tpu.vector_load %arg14[%get3A_551, %get3A_552] {strides = array<i32>} : memref<200x64xf32, #tpu.memory_space<vmem>>, vector<1x16xf32>,
        %get3A_554 = vector.shape_cast %get3A_553 : vector<1x16xf32> to vector<16xf32>
        %add3A_555 = arith.addf %add3A_550, %get3A_554 : vector<16xf32>
        %swap3A_556 = arith.index_cast %scan3A_474 : i32 to index
        %swap3A_557 = arith.constant 48 : index
        %swap3A_558 = tpu.vector_load %arg13[%swap3A_556, %swap3A_557] {strides = array<i32>} : memref<200x64xf32, #tpu.memory_space<vmem>>, vector<1x16xf32>,
        %swap3A_559 = vector.shape_cast %swap3A_558 : vector<1x16xf32> to vector<16xf32>
        %swap3A_560 = vector.shape_cast %add3A_555 : vector<16xf32> to vector<1x16xf32>
        tpu.vector_store %arg13[%swap3A_556, %swap3A_557], %swap3A_560 {strides = array<i32>} : memref<200x64xf32, #tpu.memory_space<vmem>>, vector<1x16xf32>,
      }
      %scan3A_429 = arith.constant 200 : i32
      %add3A_430 = arith.constant 1 : i32
      %add3A_431 = arith.addi %mul3A_290, %add3A_430 : i32
      %mul3A_432 = arith.constant 200 : i32
      %mul3A_433 = arith.muli %add3A_431, %mul3A_432 : i32
      %add3A_434 = arith.addi %mul3A_2, %mul3A_433 : i32
      %dma_start3A_435 = arith.constant 0 : i32
      %dma_start3A_436 = tpu.memref_slice %arg6[%add3A_434, %dma_start3A_435] : memref<204800x64xf32, #tpu.memory_space<hbm>> -> memref<200x64xf32, #tpu.memory_space<hbm>>
      %dma_start3A_437 = arith.constant 0 : i32
      %dma_start3A_438 = tpu.memref_slice %arg6[%add3A_434, %dma_start3A_437] : memref<204800x64xf32, #tpu.memory_space<hbm>> -> memref<200x64xf32, #tpu.memory_space<hbm>>
      tpu.enqueue_dma source(%arg13 : memref<200x64xf32, #tpu.memory_space<vmem>>) target(%dma_start3A_438 : memref<200x64xf32, #tpu.memory_space<hbm>>) target_semaphore(%arg18 : memref<!tpu.dma_semaphore, #tpu.memory_space<semaphore_mem>>)
      %add3A_439 = arith.constant 3 : i32
      %add3A_440 = arith.addi %mul3A_290, %add3A_439 : i32
      %mul3A_441 = arith.constant 2 : i32
      %mul3A_442 = arith.muli %add3A_440, %mul3A_441 : i32
      %add3A_443 = arith.constant 0 : i32
      %add3A_444 = arith.addi %mul3A_442, %add3A_443 : i32
      %dma_start3A_445 = arith.constant 0 : i32
      %dma_start3A_446 = arith.constant 0 : i32
      %dma_start3A_447 = tpu.memref_slice %arg11[%dma_start3A_445, %dma_start3A_446] : memref<200x128xf32, #tpu.memory_space<vmem>> -> memref<100x128xf32, #tpu.memory_space<vmem>>
      %dma_start3A_448 = arith.constant 0 : i32
      %dma_start3A_449 = tpu.memref_slice %arg7[%add3A_444, %dma_start3A_448] : memref<64x100xi32, #tpu.memory_space<vmem>> -> memref<1x100xi32, #tpu.memory_space<vmem>>
      %dma_start3A_450 = tpu.memref_squeeze %dma_start3A_449 : memref<1x100xi32, #tpu.memory_space<vmem>> -> memref<100xi32, #tpu.memory_space<vmem>>
      %dma_start3A_451 = arith.constant 0 : i32
      %dma_start3A_452 = arith.constant 0 : i32
      %dma_start3A_453 = tpu.memref_slice %arg4[%dma_start3A_451, %dma_start3A_452] : memref<500000x128xf32, #tpu.memory_space<hbm>> -> memref<500000x128xf32, #tpu.memory_space<hbm>>
      tpu.enqueue_indirect_dma source(%dma_start3A_453 : memref<500000x128xf32, #tpu.memory_space<hbm>>) target(%dma_start3A_447 : memref<100x128xf32, #tpu.memory_space<vmem>>) offsets(%dma_start3A_450 : memref<100xi32, #tpu.memory_space<vmem>>) semaphore(%arg16 : memref<!tpu.dma_semaphore, #tpu.memory_space<semaphore_mem>>)
      %mul3A_454 = arith.constant 2 : i32
      %mul3A_455 = arith.muli %add3A_440, %mul3A_454 : i32
      %add3A_456 = arith.constant 1 : i32
      %add3A_457 = arith.addi %mul3A_455, %add3A_456 : i32
      %dma_start3A_458 = arith.constant 100 : i32
      %dma_start3A_459 = arith.constant 0 : i32
      %dma_start3A_460 = tpu.memref_slice %arg11[%dma_start3A_458, %dma_start3A_459] : memref<200x128xf32, #tpu.memory_space<vmem>> -> memref<100x128xf32, #tpu.memory_space<vmem>>
      %dma_start3A_461 = arith.constant 0 : i32
      %dma_start3A_462 = tpu.memref_slice %arg7[%add3A_457, %dma_start3A_461] : memref<64x100xi32, #tpu.memory_space<vmem>> -> memref<1x100xi32, #tpu.memory_space<vmem>>
      %dma_start3A_463 = tpu.memref_squeeze %dma_start3A_462 : memref<1x100xi32, #tpu.memory_space<vmem>> -> memref<100xi32, #tpu.memory_space<vmem>>
      %dma_start3A_464 = arith.constant 0 : i32
      %dma_start3A_465 = arith.constant 0 : i32
      %dma_start3A_466 = tpu.memref_slice %arg4[%dma_start3A_464, %dma_start3A_465] : memref<500000x128xf32, #tpu.memory_space<hbm>> -> memref<500000x128xf32, #tpu.memory_space<hbm>>
      tpu.enqueue_indirect_dma source(%dma_start3A_466 : memref<500000x128xf32, #tpu.memory_space<hbm>>) target(%dma_start3A_460 : memref<100x128xf32, #tpu.memory_space<vmem>>) offsets(%dma_start3A_463 : memref<100xi32, #tpu.memory_space<vmem>>) semaphore(%arg16 : memref<!tpu.dma_semaphore, #tpu.memory_space<semaphore_mem>>)
      %mul3A_467 = arith.constant 200 : i32
      %mul3A_468 = arith.muli %add3A_440, %mul3A_467 : i32
      %add3A_469 = arith.addi %mul3A_2, %mul3A_468 : i32
      %dma_start3A_470 = arith.constant 0 : i32
      %dma_start3A_471 = tpu.memref_slice %arg3[%add3A_469, %dma_start3A_470] : memref<204800x16xf32, #tpu.memory_space<hbm>> -> memref<200x16xf32, #tpu.memory_space<hbm>>
      %dma_start3A_472 = arith.constant 0 : i32
      %dma_start3A_473 = tpu.memref_slice %arg3[%add3A_469, %dma_start3A_472] : memref<204800x16xf32, #tpu.memory_space<hbm>> -> memref<200x16xf32, #tpu.memory_space<hbm>>
      tpu.enqueue_dma source(%dma_start3A_473 : memref<200x16xf32, #tpu.memory_space<hbm>>) target(%arg9 : memref<200x16xf32, #tpu.memory_space<vmem>>) target_semaphore(%arg16 : memref<!tpu.dma_semaphore, #tpu.memory_space<semaphore_mem>>)
    }
    %scan3A_187 = arith.constant 14 : i32
    %dma_wait3A_188 = arith.constant 60 : i32
    %dma_wait3A_189 = arith.constant 0 : i32
    %dma_wait3A_190 = arith.constant 0 : i32
    %dma_wait3A_191 = tpu.memref_slice %arg10[%dma_wait3A_189, %dma_wait3A_190] : memref<200x128xf32, #tpu.memory_space<vmem>> -> memref<100x128xf32, #tpu.memory_space<vmem>>
    %dma_wait3A_192 = arith.constant 0 : i32
    %dma_wait3A_193 = tpu.memref_slice %arg7[%dma_wait3A_188, %dma_wait3A_192] : memref<64x100xi32, #tpu.memory_space<vmem>> -> memref<1x100xi32, #tpu.memory_space<vmem>>
    %dma_wait3A_194 = tpu.memref_squeeze %dma_wait3A_193 : memref<1x100xi32, #tpu.memory_space<vmem>> -> memref<100xi32, #tpu.memory_space<vmem>>
    %dma_wait3A_195 = arith.constant 0 : i32
    %dma_wait3A_196 = arith.constant 0 : i32
    %dma_wait3A_197 = tpu.memref_slice %arg4[%dma_wait3A_195, %dma_wait3A_196] : memref<500000x128xf32, #tpu.memory_space<hbm>> -> memref<500000x128xf32, #tpu.memory_space<hbm>>
    tpu.wait_indirect_dma semaphore(%arg15 : memref<!tpu.dma_semaphore, #tpu.memory_space<semaphore_mem>>) src(%dma_wait3A_197 : memref<500000x128xf32, #tpu.memory_space<hbm>>) dst(%dma_wait3A_191 : memref<100x128xf32, #tpu.memory_space<vmem>>)
    %dma_wait3A_198 = arith.constant 61 : i32
    %dma_wait3A_199 = arith.constant 100 : i32
    %dma_wait3A_200 = arith.constant 0 : i32
    %dma_wait3A_201 = tpu.memref_slice %arg10[%dma_wait3A_199, %dma_wait3A_200] : memref<200x128xf32, #tpu.memory_space<vmem>> -> memref<100x128xf32, #tpu.memory_space<vmem>>
    %dma_wait3A_202 = arith.constant 0 : i32
    %dma_wait3A_203 = tpu.memref_slice %arg7[%dma_wait3A_198, %dma_wait3A_202] : memref<64x100xi32, #tpu.memory_space<vmem>> -> memref<1x100xi32, #tpu.memory_space<vmem>>
    %dma_wait3A_204 = tpu.memref_squeeze %dma_wait3A_203 : memref<1x100xi32, #tpu.memory_space<vmem>> -> memref<100xi32, #tpu.memory_space<vmem>>
    %dma_wait3A_205 = arith.constant 0 : i32
    %dma_wait3A_206 = arith.constant 0 : i32
    %dma_wait3A_207 = tpu.memref_slice %arg4[%dma_wait3A_205, %dma_wait3A_206] : memref<500000x128xf32, #tpu.memory_space<hbm>> -> memref<500000x128xf32, #tpu.memory_space<hbm>>
    tpu.wait_indirect_dma semaphore(%arg15 : memref<!tpu.dma_semaphore, #tpu.memory_space<semaphore_mem>>) src(%dma_wait3A_207 : memref<500000x128xf32, #tpu.memory_space<hbm>>) dst(%dma_wait3A_201 : memref<100x128xf32, #tpu.memory_space<vmem>>)
    %add3A_208 = arith.constant 6000 : i32
    %add3A_209 = arith.addi %mul3A_2, %add3A_208 : i32
    %dma_wait3A_210 = arith.constant 0 : i32
    %dma_wait3A_211 = tpu.memref_slice %arg3[%add3A_209, %dma_wait3A_210] : memref<204800x16xf32, #tpu.memory_space<hbm>> -> memref<200x16xf32, #tpu.memory_space<hbm>>
    %dma_wait3A_212 = arith.constant 0 : i32
    %dma_wait3A_213 = tpu.memref_slice %arg3[%add3A_209, %dma_wait3A_212] : memref<204800x16xf32, #tpu.memory_space<hbm>> -> memref<200x16xf32, #tpu.memory_space<hbm>>
    tpu.wait_dma2 semaphore(%arg15 : memref<!tpu.dma_semaphore, #tpu.memory_space<semaphore_mem>>) src(%dma_wait3A_213 : memref<200x16xf32, #tpu.memory_space<hbm>>) dst(%arg8 : memref<200x16xf32, #tpu.memory_space<vmem>>)
    %add3A_214 = arith.constant 5600 : i32
    %add3A_215 = arith.addi %mul3A_2, %add3A_214 : i32
    %dma_wait3A_216 = arith.constant 0 : i32
    %dma_wait3A_217 = tpu.memref_slice %arg6[%add3A_215, %dma_wait3A_216] : memref<204800x64xf32, #tpu.memory_space<hbm>> -> memref<200x64xf32, #tpu.memory_space<hbm>>
    %dma_wait3A_218 = arith.constant 0 : i32
    %dma_wait3A_219 = tpu.memref_slice %arg6[%add3A_215, %dma_wait3A_218] : memref<204800x64xf32, #tpu.memory_space<hbm>> -> memref<200x64xf32, #tpu.memory_space<hbm>>
    tpu.wait_dma2 semaphore(%arg17 : memref<!tpu.dma_semaphore, #tpu.memory_space<semaphore_mem>>) src(%arg12 : memref<200x64xf32, #tpu.memory_space<vmem>>) dst(%dma_wait3A_219 : memref<200x64xf32, #tpu.memory_space<hbm>>)
    %scan3A_220 = arith.constant 0 : i32
    %scan3A_221 = arith.constant 0 : i32
    %scan3A_222 = arith.constant 200 : i32
    %scan3A_223 = arith.addi %scan3A_221, %scan3A_222 : i32
    %scan3A_224 = arith.constant 1 : i32
    scf.for %scan3A_288 = %scan3A_221 to %scan3A_223 step %scan3A_224  : i32 {
      %get3A = arith.index_cast %scan3A_288 : i32 to index
      %get3A_289 = arith.constant 0 : index
      %get3A_290 = tpu.vector_load %arg8[%get3A, %get3A_289] {strides = array<i32>} : memref<200x16xf32, #tpu.memory_space<vmem>>, vector<1x16xf32>,
      %get3A_291 = vector.shape_cast %get3A_290 : vector<1x16xf32> to vector<16xf32>
      %get3A_292 = arith.index_cast %scan3A_288 : i32 to index
      %get3A_293 = arith.constant 0 : index
      %get3A_294 = tpu.vector_load %arg10[%get3A_292, %get3A_293] {strides = array<i32>} : memref<200x128xf32, #tpu.memory_space<vmem>>, vector<1x16xf32>,
      %get3A_295 = vector.shape_cast %get3A_294 : vector<1x16xf32> to vector<16xf32>
      %get3A_296 = arith.index_cast %scan3A_288 : i32 to index
      %get3A_297 = arith.constant 64 : index
      %get3A_298 = tpu.vector_load %arg10[%get3A_296, %get3A_297] {strides = array<i32>} : memref<200x128xf32, #tpu.memory_space<vmem>>, vector<1x16xf32>,
      %get3A_299 = vector.shape_cast %get3A_298 : vector<1x16xf32> to vector<16xf32>
      %sub3A = arith.subf %get3A_299, %get3A_295 : vector<16xf32>
      %mul3A_300 = arith.mulf %get3A_291, %sub3A : vector<16xf32>
      %add3A_301 = arith.addf %get3A_295, %mul3A_300 : vector<16xf32>
      %get3A_302 = arith.index_cast %scan3A_288 : i32 to index
      %get3A_303 = arith.constant 0 : index
      %get3A_304 = tpu.vector_load %arg14[%get3A_302, %get3A_303] {strides = array<i32>} : memref<200x64xf32, #tpu.memory_space<vmem>>, vector<1x16xf32>,
      %get3A_305 = vector.shape_cast %get3A_304 : vector<1x16xf32> to vector<16xf32>
      %add3A_306 = arith.addf %add3A_301, %get3A_305 : vector<16xf32>
      %swap3A = arith.index_cast %scan3A_288 : i32 to index
      %swap3A_307 = arith.constant 0 : index
      %swap3A_308 = tpu.vector_load %arg12[%swap3A, %swap3A_307] {strides = array<i32>} : memref<200x64xf32, #tpu.memory_space<vmem>>, vector<1x16xf32>,
      %swap3A_309 = vector.shape_cast %swap3A_308 : vector<1x16xf32> to vector<16xf32>
      %swap3A_310 = vector.shape_cast %add3A_306 : vector<16xf32> to vector<1x16xf32>
      tpu.vector_store %arg12[%swap3A, %swap3A_307], %swap3A_310 {strides = array<i32>} : memref<200x64xf32, #tpu.memory_space<vmem>>, vector<1x16xf32>,
      %get3A_311 = arith.index_cast %scan3A_288 : i32 to index
      %get3A_312 = arith.constant 16 : index
      %get3A_313 = tpu.vector_load %arg10[%get3A_311, %get3A_312] {strides = array<i32>} : memref<200x128xf32, #tpu.memory_space<vmem>>, vector<1x16xf32>,
      %get3A_314 = vector.shape_cast %get3A_313 : vector<1x16xf32> to vector<16xf32>
      %get3A_315 = arith.index_cast %scan3A_288 : i32 to index
      %get3A_316 = arith.constant 80 : index
      %get3A_317 = tpu.vector_load %arg10[%get3A_315, %get3A_316] {strides = array<i32>} : memref<200x128xf32, #tpu.memory_space<vmem>>, vector<1x16xf32>,
      %get3A_318 = vector.shape_cast %get3A_317 : vector<1x16xf32> to vector<16xf32>
      %sub3A_319 = arith.subf %get3A_318, %get3A_314 : vector<16xf32>
      %mul3A_320 = arith.mulf %get3A_291, %sub3A_319 : vector<16xf32>
      %add3A_321 = arith.addf %get3A_314, %mul3A_320 : vector<16xf32>
      %get3A_322 = arith.index_cast %scan3A_288 : i32 to index
      %get3A_323 = arith.constant 16 : index
      %get3A_324 = tpu.vector_load %arg14[%get3A_322, %get3A_323] {strides = array<i32>} : memref<200x64xf32, #tpu.memory_space<vmem>>, vector<1x16xf32>,
      %get3A_325 = vector.shape_cast %get3A_324 : vector<1x16xf32> to vector<16xf32>
      %add3A_326 = arith.addf %add3A_321, %get3A_325 : vector<16xf32>
      %swap3A_327 = arith.index_cast %scan3A_288 : i32 to index
      %swap3A_328 = arith.constant 16 : index
      %swap3A_329 = tpu.vector_load %arg12[%swap3A_327, %swap3A_328] {strides = array<i32>} : memref<200x64xf32, #tpu.memory_space<vmem>>, vector<1x16xf32>,
      %swap3A_330 = vector.shape_cast %swap3A_329 : vector<1x16xf32> to vector<16xf32>
      %swap3A_331 = vector.shape_cast %add3A_326 : vector<16xf32> to vector<1x16xf32>
      tpu.vector_store %arg12[%swap3A_327, %swap3A_328], %swap3A_331 {strides = array<i32>} : memref<200x64xf32, #tpu.memory_space<vmem>>, vector<1x16xf32>,
      %get3A_332 = arith.index_cast %scan3A_288 : i32 to index
      %get3A_333 = arith.constant 32 : index
      %get3A_334 = tpu.vector_load %arg10[%get3A_332, %get3A_333] {strides = array<i32>} : memref<200x128xf32, #tpu.memory_space<vmem>>, vector<1x16xf32>,
      %get3A_335 = vector.shape_cast %get3A_334 : vector<1x16xf32> to vector<16xf32>
      %get3A_336 = arith.index_cast %scan3A_288 : i32 to index
      %get3A_337 = arith.constant 96 : index
      %get3A_338 = tpu.vector_load %arg10[%get3A_336, %get3A_337] {strides = array<i32>} : memref<200x128xf32, #tpu.memory_space<vmem>>, vector<1x16xf32>,
      %get3A_339 = vector.shape_cast %get3A_338 : vector<1x16xf32> to vector<16xf32>
      %sub3A_340 = arith.subf %get3A_339, %get3A_335 : vector<16xf32>
      %mul3A_341 = arith.mulf %get3A_291, %sub3A_340 : vector<16xf32>
      %add3A_342 = arith.addf %get3A_335, %mul3A_341 : vector<16xf32>
      %get3A_343 = arith.index_cast %scan3A_288 : i32 to index
      %get3A_344 = arith.constant 32 : index
      %get3A_345 = tpu.vector_load %arg14[%get3A_343, %get3A_344] {strides = array<i32>} : memref<200x64xf32, #tpu.memory_space<vmem>>, vector<1x16xf32>,
      %get3A_346 = vector.shape_cast %get3A_345 : vector<1x16xf32> to vector<16xf32>
      %add3A_347 = arith.addf %add3A_342, %get3A_346 : vector<16xf32>
      %swap3A_348 = arith.index_cast %scan3A_288 : i32 to index
      %swap3A_349 = arith.constant 32 : index
      %swap3A_350 = tpu.vector_load %arg12[%swap3A_348, %swap3A_349] {strides = array<i32>} : memref<200x64xf32, #tpu.memory_space<vmem>>, vector<1x16xf32>,
      %swap3A_351 = vector.shape_cast %swap3A_350 : vector<1x16xf32> to vector<16xf32>
      %swap3A_352 = vector.shape_cast %add3A_347 : vector<16xf32> to vector<1x16xf32>
      tpu.vector_store %arg12[%swap3A_348, %swap3A_349], %swap3A_352 {strides = array<i32>} : memref<200x64xf32, #tpu.memory_space<vmem>>, vector<1x16xf32>,
      %get3A_353 = arith.index_cast %scan3A_288 : i32 to index
      %get3A_354 = arith.constant 48 : index
      %get3A_355 = tpu.vector_load %arg10[%get3A_353, %get3A_354] {strides = array<i32>} : memref<200x128xf32, #tpu.memory_space<vmem>>, vector<1x16xf32>,
      %get3A_356 = vector.shape_cast %get3A_355 : vector<1x16xf32> to vector<16xf32>
      %get3A_357 = arith.index_cast %scan3A_288 : i32 to index
      %get3A_358 = arith.constant 112 : index
      %get3A_359 = tpu.vector_load %arg10[%get3A_357, %get3A_358] {strides = array<i32>} : memref<200x128xf32, #tpu.memory_space<vmem>>, vector<1x16xf32>,
      %get3A_360 = vector.shape_cast %get3A_359 : vector<1x16xf32> to vector<16xf32>
      %sub3A_361 = arith.subf %get3A_360, %get3A_356 : vector<16xf32>
      %mul3A_362 = arith.mulf %get3A_291, %sub3A_361 : vector<16xf32>
      %add3A_363 = arith.addf %get3A_356, %mul3A_362 : vector<16xf32>
      %get3A_364 = arith.index_cast %scan3A_288 : i32 to index
      %get3A_365 = arith.constant 48 : index
      %get3A_366 = tpu.vector_load %arg14[%get3A_364, %get3A_365] {strides = array<i32>} : memref<200x64xf32, #tpu.memory_space<vmem>>, vector<1x16xf32>,
      %get3A_367 = vector.shape_cast %get3A_366 : vector<1x16xf32> to vector<16xf32>
      %add3A_368 = arith.addf %add3A_363, %get3A_367 : vector<16xf32>
      %swap3A_369 = arith.index_cast %scan3A_288 : i32 to index
      %swap3A_370 = arith.constant 48 : index
      %swap3A_371 = tpu.vector_load %arg12[%swap3A_369, %swap3A_370] {strides = array<i32>} : memref<200x64xf32, #tpu.memory_space<vmem>>, vector<1x16xf32>,
      %swap3A_372 = vector.shape_cast %swap3A_371 : vector<1x16xf32> to vector<16xf32>
      %swap3A_373 = vector.shape_cast %add3A_368 : vector<16xf32> to vector<1x16xf32>
      tpu.vector_store %arg12[%swap3A_369, %swap3A_370], %swap3A_373 {strides = array<i32>} : memref<200x64xf32, #tpu.memory_space<vmem>>, vector<1x16xf32>,
    }
    %scan3A_225 = arith.constant 200 : i32
    %add3A_226 = arith.constant 6000 : i32
    %add3A_227 = arith.addi %mul3A_2, %add3A_226 : i32
    %dma_start3A_228 = arith.constant 0 : i32
    %dma_start3A_229 = tpu.memref_slice %arg6[%add3A_227, %dma_start3A_228] : memref<204800x64xf32, #tpu.memory_space<hbm>> -> memref<200x64xf32, #tpu.memory_space<hbm>>
    %dma_start3A_230 = arith.constant 0 : i32
    %dma_start3A_231 = tpu.memref_slice %arg6[%add3A_227, %dma_start3A_230] : memref<204800x64xf32, #tpu.memory_space<hbm>> -> memref<200x64xf32, #tpu.memory_space<hbm>>
    tpu.enqueue_dma source(%arg12 : memref<200x64xf32, #tpu.memory_space<vmem>>) target(%dma_start3A_231 : memref<200x64xf32, #tpu.memory_space<hbm>>) target_semaphore(%arg17 : memref<!tpu.dma_semaphore, #tpu.memory_space<semaphore_mem>>)
    %dma_wait3A_232 = arith.constant 62 : i32
    %dma_wait3A_233 = arith.constant 0 : i32
    %dma_wait3A_234 = arith.constant 0 : i32
    %dma_wait3A_235 = tpu.memref_slice %arg11[%dma_wait3A_233, %dma_wait3A_234] : memref<200x128xf32, #tpu.memory_space<vmem>> -> memref<100x128xf32, #tpu.memory_space<vmem>>
    %dma_wait3A_236 = arith.constant 0 : i32
    %dma_wait3A_237 = tpu.memref_slice %arg7[%dma_wait3A_232, %dma_wait3A_236] : memref<64x100xi32, #tpu.memory_space<vmem>> -> memref<1x100xi32, #tpu.memory_space<vmem>>
    %dma_wait3A_238 = tpu.memref_squeeze %dma_wait3A_237 : memref<1x100xi32, #tpu.memory_space<vmem>> -> memref<100xi32, #tpu.memory_space<vmem>>
    %dma_wait3A_239 = arith.constant 0 : i32
    %dma_wait3A_240 = arith.constant 0 : i32
    %dma_wait3A_241 = tpu.memref_slice %arg4[%dma_wait3A_239, %dma_wait3A_240] : memref<500000x128xf32, #tpu.memory_space<hbm>> -> memref<500000x128xf32, #tpu.memory_space<hbm>>
    tpu.wait_indirect_dma semaphore(%arg16 : memref<!tpu.dma_semaphore, #tpu.memory_space<semaphore_mem>>) src(%dma_wait3A_241 : memref<500000x128xf32, #tpu.memory_space<hbm>>) dst(%dma_wait3A_235 : memref<100x128xf32, #tpu.memory_space<vmem>>)
    %dma_wait3A_242 = arith.constant 63 : i32
    %dma_wait3A_243 = arith.constant 100 : i32
    %dma_wait3A_244 = arith.constant 0 : i32
    %dma_wait3A_245 = tpu.memref_slice %arg11[%dma_wait3A_243, %dma_wait3A_244] : memref<200x128xf32, #tpu.memory_space<vmem>> -> memref<100x128xf32, #tpu.memory_space<vmem>>
    %dma_wait3A_246 = arith.constant 0 : i32
    %dma_wait3A_247 = tpu.memref_slice %arg7[%dma_wait3A_242, %dma_wait3A_246] : memref<64x100xi32, #tpu.memory_space<vmem>> -> memref<1x100xi32, #tpu.memory_space<vmem>>
    %dma_wait3A_248 = tpu.memref_squeeze %dma_wait3A_247 : memref<1x100xi32, #tpu.memory_space<vmem>> -> memref<100xi32, #tpu.memory_space<vmem>>
    %dma_wait3A_249 = arith.constant 0 : i32
    %dma_wait3A_250 = arith.constant 0 : i32
    %dma_wait3A_251 = tpu.memref_slice %arg4[%dma_wait3A_249, %dma_wait3A_250] : memref<500000x128xf32, #tpu.memory_space<hbm>> -> memref<500000x128xf32, #tpu.memory_space<hbm>>
    tpu.wait_indirect_dma semaphore(%arg16 : memref<!tpu.dma_semaphore, #tpu.memory_space<semaphore_mem>>) src(%dma_wait3A_251 : memref<500000x128xf32, #tpu.memory_space<hbm>>) dst(%dma_wait3A_245 : memref<100x128xf32, #tpu.memory_space<vmem>>)
    %add3A_252 = arith.constant 6200 : i32
    %add3A_253 = arith.addi %mul3A_2, %add3A_252 : i32
    %dma_wait3A_254 = arith.constant 0 : i32
    %dma_wait3A_255 = tpu.memref_slice %arg3[%add3A_253, %dma_wait3A_254] : memref<204800x16xf32, #tpu.memory_space<hbm>> -> memref<200x16xf32, #tpu.memory_space<hbm>>
    %dma_wait3A_256 = arith.constant 0 : i32
    %dma_wait3A_257 = tpu.memref_slice %arg3[%add3A_253, %dma_wait3A_256] : memref<204800x16xf32, #tpu.memory_space<hbm>> -> memref<200x16xf32, #tpu.memory_space<hbm>>
    tpu.wait_dma2 semaphore(%arg16 : memref<!tpu.dma_semaphore, #tpu.memory_space<semaphore_mem>>) src(%dma_wait3A_257 : memref<200x16xf32, #tpu.memory_space<hbm>>) dst(%arg9 : memref<200x16xf32, #tpu.memory_space<vmem>>)
    %add3A_258 = arith.constant 5800 : i32
    %add3A_259 = arith.addi %mul3A_2, %add3A_258 : i32
    %dma_wait3A_260 = arith.constant 0 : i32
    %dma_wait3A_261 = tpu.memref_slice %arg6[%add3A_259, %dma_wait3A_260] : memref<204800x64xf32, #tpu.memory_space<hbm>> -> memref<200x64xf32, #tpu.memory_space<hbm>>
    %dma_wait3A_262 = arith.constant 0 : i32
    %dma_wait3A_263 = tpu.memref_slice %arg6[%add3A_259, %dma_wait3A_262] : memref<204800x64xf32, #tpu.memory_space<hbm>> -> memref<200x64xf32, #tpu.memory_space<hbm>>
    tpu.wait_dma2 semaphore(%arg18 : memref<!tpu.dma_semaphore, #tpu.memory_space<semaphore_mem>>) src(%arg13 : memref<200x64xf32, #tpu.memory_space<vmem>>) dst(%dma_wait3A_263 : memref<200x64xf32, #tpu.memory_space<hbm>>)
    %scan3A_264 = arith.constant 0 : i32
    %scan3A_265 = arith.constant 0 : i32
    %scan3A_266 = arith.constant 200 : i32
    %scan3A_267 = arith.addi %scan3A_265, %scan3A_266 : i32
    %scan3A_268 = arith.constant 1 : i32
    scf.for %scan3A_288 = %scan3A_265 to %scan3A_267 step %scan3A_268  : i32 {
      %get3A = arith.index_cast %scan3A_288 : i32 to index
      %get3A_289 = arith.constant 0 : index
      %get3A_290 = tpu.vector_load %arg9[%get3A, %get3A_289] {strides = array<i32>} : memref<200x16xf32, #tpu.memory_space<vmem>>, vector<1x16xf32>,
      %get3A_291 = vector.shape_cast %get3A_290 : vector<1x16xf32> to vector<16xf32>
      %get3A_292 = arith.index_cast %scan3A_288 : i32 to index
      %get3A_293 = arith.constant 0 : index
      %get3A_294 = tpu.vector_load %arg11[%get3A_292, %get3A_293] {strides = array<i32>} : memref<200x128xf32, #tpu.memory_space<vmem>>, vector<1x16xf32>,
      %get3A_295 = vector.shape_cast %get3A_294 : vector<1x16xf32> to vector<16xf32>
      %get3A_296 = arith.index_cast %scan3A_288 : i32 to index
      %get3A_297 = arith.constant 64 : index
      %get3A_298 = tpu.vector_load %arg11[%get3A_296, %get3A_297] {strides = array<i32>} : memref<200x128xf32, #tpu.memory_space<vmem>>, vector<1x16xf32>,
      %get3A_299 = vector.shape_cast %get3A_298 : vector<1x16xf32> to vector<16xf32>
      %sub3A = arith.subf %get3A_299, %get3A_295 : vector<16xf32>
      %mul3A_300 = arith.mulf %get3A_291, %sub3A : vector<16xf32>
      %add3A_301 = arith.addf %get3A_295, %mul3A_300 : vector<16xf32>
      %get3A_302 = arith.index_cast %scan3A_288 : i32 to index
      %get3A_303 = arith.constant 0 : index
      %get3A_304 = tpu.vector_load %arg14[%get3A_302, %get3A_303] {strides = array<i32>} : memref<200x64xf32, #tpu.memory_space<vmem>>, vector<1x16xf32>,
      %get3A_305 = vector.shape_cast %get3A_304 : vector<1x16xf32> to vector<16xf32>
      %add3A_306 = arith.addf %add3A_301, %get3A_305 : vector<16xf32>
      %swap3A = arith.index_cast %scan3A_288 : i32 to index
      %swap3A_307 = arith.constant 0 : index
      %swap3A_308 = tpu.vector_load %arg13[%swap3A, %swap3A_307] {strides = array<i32>} : memref<200x64xf32, #tpu.memory_space<vmem>>, vector<1x16xf32>,
      %swap3A_309 = vector.shape_cast %swap3A_308 : vector<1x16xf32> to vector<16xf32>
      %swap3A_310 = vector.shape_cast %add3A_306 : vector<16xf32> to vector<1x16xf32>
      tpu.vector_store %arg13[%swap3A, %swap3A_307], %swap3A_310 {strides = array<i32>} : memref<200x64xf32, #tpu.memory_space<vmem>>, vector<1x16xf32>,
      %get3A_311 = arith.index_cast %scan3A_288 : i32 to index
      %get3A_312 = arith.constant 16 : index
      %get3A_313 = tpu.vector_load %arg11[%get3A_311, %get3A_312] {strides = array<i32>} : memref<200x128xf32, #tpu.memory_space<vmem>>, vector<1x16xf32>,
      %get3A_314 = vector.shape_cast %get3A_313 : vector<1x16xf32> to vector<16xf32>
      %get3A_315 = arith.index_cast %scan3A_288 : i32 to index
      %get3A_316 = arith.constant 80 : index
      %get3A_317 = tpu.vector_load %arg11[%get3A_315, %get3A_316] {strides = array<i32>} : memref<200x128xf32, #tpu.memory_space<vmem>>, vector<1x16xf32>,
      %get3A_318 = vector.shape_cast %get3A_317 : vector<1x16xf32> to vector<16xf32>
      %sub3A_319 = arith.subf %get3A_318, %get3A_314 : vector<16xf32>
      %mul3A_320 = arith.mulf %get3A_291, %sub3A_319 : vector<16xf32>
      %add3A_321 = arith.addf %get3A_314, %mul3A_320 : vector<16xf32>
      %get3A_322 = arith.index_cast %scan3A_288 : i32 to index
      %get3A_323 = arith.constant 16 : index
      %get3A_324 = tpu.vector_load %arg14[%get3A_322, %get3A_323] {strides = array<i32>} : memref<200x64xf32, #tpu.memory_space<vmem>>, vector<1x16xf32>,
      %get3A_325 = vector.shape_cast %get3A_324 : vector<1x16xf32> to vector<16xf32>
      %add3A_326 = arith.addf %add3A_321, %get3A_325 : vector<16xf32>
      %swap3A_327 = arith.index_cast %scan3A_288 : i32 to index
      %swap3A_328 = arith.constant 16 : index
      %swap3A_329 = tpu.vector_load %arg13[%swap3A_327, %swap3A_328] {strides = array<i32>} : memref<200x64xf32, #tpu.memory_space<vmem>>, vector<1x16xf32>,
      %swap3A_330 = vector.shape_cast %swap3A_329 : vector<1x16xf32> to vector<16xf32>
      %swap3A_331 = vector.shape_cast %add3A_326 : vector<16xf32> to vector<1x16xf32>
      tpu.vector_store %arg13[%swap3A_327, %swap3A_328], %swap3A_331 {strides = array<i32>} : memref<200x64xf32, #tpu.memory_space<vmem>>, vector<1x16xf32>,
      %get3A_332 = arith.index_cast %scan3A_288 : i32 to index
      %get3A_333 = arith.constant 32 : index
      %get3A_334 = tpu.vector_load %arg11[%get3A_332, %get3A_333] {strides = array<i32>} : memref<200x128xf32, #tpu.memory_space<vmem>>, vector<1x16xf32>,
      %get3A_335 = vector.shape_cast %get3A_334 : vector<1x16xf32> to vector<16xf32>
      %get3A_336 = arith.index_cast %scan3A_288 : i32 to index
      %get3A_337 = arith.constant 96 : index
      %get3A_338 = tpu.vector_load %arg11[%get3A_336, %get3A_337] {strides = array<i32>} : memref<200x128xf32, #tpu.memory_space<vmem>>, vector<1x16xf32>,
      %get3A_339 = vector.shape_cast %get3A_338 : vector<1x16xf32> to vector<16xf32>
      %sub3A_340 = arith.subf %get3A_339, %get3A_335 : vector<16xf32>
      %mul3A_341 = arith.mulf %get3A_291, %sub3A_340 : vector<16xf32>
      %add3A_342 = arith.addf %get3A_335, %mul3A_341 : vector<16xf32>
      %get3A_343 = arith.index_cast %scan3A_288 : i32 to index
      %get3A_344 = arith.constant 32 : index
      %get3A_345 = tpu.vector_load %arg14[%get3A_343, %get3A_344] {strides = array<i32>} : memref<200x64xf32, #tpu.memory_space<vmem>>, vector<1x16xf32>,
      %get3A_346 = vector.shape_cast %get3A_345 : vector<1x16xf32> to vector<16xf32>
      %add3A_347 = arith.addf %add3A_342, %get3A_346 : vector<16xf32>
      %swap3A_348 = arith.index_cast %scan3A_288 : i32 to index
      %swap3A_349 = arith.constant 32 : index
      %swap3A_350 = tpu.vector_load %arg13[%swap3A_348, %swap3A_349] {strides = array<i32>} : memref<200x64xf32, #tpu.memory_space<vmem>>, vector<1x16xf32>,
      %swap3A_351 = vector.shape_cast %swap3A_350 : vector<1x16xf32> to vector<16xf32>
      %swap3A_352 = vector.shape_cast %add3A_347 : vector<16xf32> to vector<1x16xf32>
      tpu.vector_store %arg13[%swap3A_348, %swap3A_349], %swap3A_352 {strides = array<i32>} : memref<200x64xf32, #tpu.memory_space<vmem>>, vector<1x16xf32>,
      %get3A_353 = arith.index_cast %scan3A_288 : i32 to index
      %get3A_354 = arith.constant 48 : index
      %get3A_355 = tpu.vector_load %arg11[%get3A_353, %get3A_354] {strides = array<i32>} : memref<200x128xf32, #tpu.memory_space<vmem>>, vector<1x16xf32>,
      %get3A_356 = vector.shape_cast %get3A_355 : vector<1x16xf32> to vector<16xf32>
      %get3A_357 = arith.index_cast %scan3A_288 : i32 to index
      %get3A_358 = arith.constant 112 : index
      %get3A_359 = tpu.vector_load %arg11[%get3A_357, %get3A_358] {strides = array<i32>} : memref<200x128xf32, #tpu.memory_space<vmem>>, vector<1x16xf32>,
      %get3A_360 = vector.shape_cast %get3A_359 : vector<1x16xf32> to vector<16xf32>
      %sub3A_361 = arith.subf %get3A_360, %get3A_356 : vector<16xf32>
      %mul3A_362 = arith.mulf %get3A_291, %sub3A_361 : vector<16xf32>
      %add3A_363 = arith.addf %get3A_356, %mul3A_362 : vector<16xf32>
      %get3A_364 = arith.index_cast %scan3A_288 : i32 to index
      %get3A_365 = arith.constant 48 : index
      %get3A_366 = tpu.vector_load %arg14[%get3A_364, %get3A_365] {strides = array<i32>} : memref<200x64xf32, #tpu.memory_space<vmem>>, vector<1x16xf32>,
      %get3A_367 = vector.shape_cast %get3A_366 : vector<1x16xf32> to vector<16xf32>
      %add3A_368 = arith.addf %add3A_363, %get3A_367 : vector<16xf32>
      %swap3A_369 = arith.index_cast %scan3A_288 : i32 to index
      %swap3A_370 = arith.constant 48 : index
      %swap3A_371 = tpu.vector_load %arg13[%swap3A_369, %swap3A_370] {strides = array<i32>} : memref<200x64xf32, #tpu.memory_space<vmem>>, vector<1x16xf32>,
      %swap3A_372 = vector.shape_cast %swap3A_371 : vector<1x16xf32> to vector<16xf32>
      %swap3A_373 = vector.shape_cast %add3A_368 : vector<16xf32> to vector<1x16xf32>
      tpu.vector_store %arg13[%swap3A_369, %swap3A_370], %swap3A_373 {strides = array<i32>} : memref<200x64xf32, #tpu.memory_space<vmem>>, vector<1x16xf32>,
    }
    %scan3A_269 = arith.constant 200 : i32
    %add3A_270 = arith.constant 6200 : i32
    %add3A_271 = arith.addi %mul3A_2, %add3A_270 : i32
    %dma_start3A_272 = arith.constant 0 : i32
    %dma_start3A_273 = tpu.memref_slice %arg6[%add3A_271, %dma_start3A_272] : memref<204800x64xf32, #tpu.memory_space<hbm>> -> memref<200x64xf32, #tpu.memory_space<hbm>>
    %dma_start3A_274 = arith.constant 0 : i32
    %dma_start3A_275 = tpu.memref_slice %arg6[%add3A_271, %dma_start3A_274] : memref<204800x64xf32, #tpu.memory_space<hbm>> -> memref<200x64xf32, #tpu.memory_space<hbm>>
    tpu.enqueue_dma source(%arg13 : memref<200x64xf32, #tpu.memory_space<vmem>>) target(%dma_start3A_275 : memref<200x64xf32, #tpu.memory_space<hbm>>) target_semaphore(%arg18 : memref<!tpu.dma_semaphore, #tpu.memory_space<semaphore_mem>>)
    %add3A_276 = arith.constant 6000 : i32
    %add3A_277 = arith.addi %mul3A_2, %add3A_276 : i32
    %dma_wait3A_278 = arith.constant 0 : i32
    %dma_wait3A_279 = tpu.memref_slice %arg6[%add3A_277, %dma_wait3A_278] : memref<204800x64xf32, #tpu.memory_space<hbm>> -> memref<200x64xf32, #tpu.memory_space<hbm>>
    %dma_wait3A_280 = arith.constant 0 : i32
    %dma_wait3A_281 = tpu.memref_slice %arg6[%add3A_277, %dma_wait3A_280] : memref<204800x64xf32, #tpu.memory_space<hbm>> -> memref<200x64xf32, #tpu.memory_space<hbm>>
    tpu.wait_dma2 semaphore(%arg17 : memref<!tpu.dma_semaphore, #tpu.memory_space<semaphore_mem>>) src(%arg12 : memref<200x64xf32, #tpu.memory_space<vmem>>) dst(%dma_wait3A_281 : memref<200x64xf32, #tpu.memory_space<hbm>>)
    %add3A_282 = arith.constant 6200 : i32
    %add3A_283 = arith.addi %mul3A_2, %add3A_282 : i32
    %dma_wait3A_284 = arith.constant 0 : i32
    %dma_wait3A_285 = tpu.memref_slice %arg6[%add3A_283, %dma_wait3A_284] : memref<204800x64xf32, #tpu.memory_space<hbm>> -> memref<200x64xf32, #tpu.memory_space<hbm>>
    %dma_wait3A_286 = arith.constant 0 : i32
    %dma_wait3A_287 = tpu.memref_slice %arg6[%add3A_283, %dma_wait3A_286] : memref<204800x64xf32, #tpu.memory_space<hbm>> -> memref<200x64xf32, #tpu.memory_space<hbm>>
    tpu.wait_dma2 semaphore(%arg18 : memref<!tpu.dma_semaphore, #tpu.memory_space<semaphore_mem>>) src(%arg13 : memref<200x64xf32, #tpu.memory_space<vmem>>) dst(%dma_wait3A_287 : memref<200x64xf32, #tpu.memory_space<hbm>>)
    return
  }
}

</mosaic_0001>

<sc_bundles>
// kernel: kernel.3.cloned.1.call-start
scs
__scs_entry_jumppad:
0x0: {  	(pc) =	sbr.rel $0x88, $3  }
0x1: {  	(tag) =	ssettag $0x0;
	lr =	simm.s32 $0x1  }
0x2: {  	[smem:$0x3F9E] =	sst lr;
	_ =	strace $0xD0000000  }
0x3: {  	_ = 	snop  }
0x4: {  	_ = 	snop  }
0x5: {  	_ = 	snop  }
0x6: {  	_ = 	snop  }
0x7: {  	_ = 	snop  }
__scs_overlays_trampoline_lowered:
0x8: {  	[smem:$0x3FAD] =	sst s0  }
0x9: {  	[smem:$0x3FAE] =	sst s1  }
0xa: {  	[smem:$0x3FAF] =	sst s2  }
0xb: {  	[smem:$0x3FB0] =	sst s3  }
0xc: {  	[smem:$0x3FB1] =	sst s4  }
0xd: {  	[smem:$0x3FB2] =	sst s5  }
0xe: {  	[smem:$0x3FB3] =	sst s6  }
0xf: {  	[smem:$0x3FB4] =	sst s7  }
0x10: {  	[smem:$0x3FB5] =	sst s8  }
0x11: {  	[smem:$0x3FB6] =	sst s9;
	s0 =	simm.s32 @!p0 $0x0  }
0x12: {  	s1 =	sld [smem:$0x3F9C];
	s0 =	simm.s32 @p0 $0x1  }
0x13: {  	[smem:$0x3FB7] =	sst s0;
	s0 =	simm.s32 @!p1 $0x0  }
0x14: {  	s2 =	sld [smem:$0x3F9B];
	s0 =	simm.s32 @p1 $0x1  }
0x15: {  	[smem:$0x3FB8] =	sst s0;
	s0 =	simm.s32 @!p2 $0x0  }
0x16: {  	s3 =	sld [smem:$0x3FDB];
	s0 =	simm.s32 @p2 $0x1  }
0x17: {  	s4 =	simm.s32 $0x1BF5;
	[smem:$0x3FBA] =	sst s0  }
0x18: {  	s0 =	sld [smem:$0x3F9D];
	_ =	swait.ge [sflag:s4], $0x0  }
0x19: {  	s7 =	sld [smem:$0x3F9E]  }
0x1a: {  	s8 =	sadd.s32 $0xFFFFE003, lr  }
0x1b: {  	s9 =	sadd.s32 $0xFFFFFEF7, lr;
	s5 =	simm.s32 $0xFFFFFFFF;
	p2 =	slt.u32 s8, $0xFFFFF086  }
0x1c: {  	p1 =	slt.u32 s9, $0xF7A;
	s5 =	simm.s32 @!p2 $0x0  }
0x1d: {  	s5 =	simm.s32 @p1 $0x1;
	p0 =	seq.s32 s7, s2  }
0x1e: {  	s7 =	smul.u32 @!p0 $0xF7A, s2;
	p2 =	seq.s32 @!p0 s5, $0x0  }
0x1f: {  	s9 =	smul.u32 $0xF7A, s1;
	s8 =	simm.s32 @!p0 $0x1BF5;
	p2 =	por !p2, p0  }
0x20: {  	[sflag:s8] =	ssyncset.s32 @!p0 $0xFFFFF086;
	s6 =	sadd.s32 @!p0 s3, s7;
	s7 =	simm.s32 @!p0 $0x108  }
0x21: {  	s3 =	sadd.s32 s3, s9;
	s6 =	sadd.s32 @!p0 $0x88, s6;
	s7 =	simm.s32 @p2 $0x1082  }
0x22: {  	[simem:s7], [sflag:s8] =	dma.local @!p0 [hbm:s6], $0xF7A  }
0x23: {  	s9 =	sor.u32 $0xD0000000, s2;
	s6 =	simm.s32 $0x108;
	_ =	swait.ge @!p0 [sflag:s8], $0x0  }
0x24: {  	s3 =	sadd.s32 $0x88, s3;
	s6 =	simm.s32 @!p1 $0x1082;
	[sflag:s4] =	ssyncset.s32 $0xFFFFF086  }
0x25: {  	[simem:s6], [sflag:s4] =	dma.local [hbm:s3], $0xF7A  }
0x26: {  	[smem:$0x3F9E] =	sst s1;
	(tag) =	ssettag s2;
	_ =	strace s9  }
0x27: {  	s1 =	sld [smem:$0x3FAE]  }
0x28: {  	s2 =	sld [smem:$0x3FAF]  }
0x29: {  	s4 =	sld [smem:$0x3FB1]  }
0x2a: {  	p0 =	seq.s32 s5, $0x0;
	s5 =	sld [smem:$0x3FB2]  }
0x2b: {  	s6 =	sld [smem:$0x3FB3]  }
0x2c: {  	s7 =	sld [smem:$0x3FB4]  }
0x2d: {  	s3 =	simm.s32 $0x108;
	s8 =	sld [smem:$0x3FB5]  }
0x2e: {  	s3 =	simm.s32 @!p0 $0x1082;
	s9 =	sld [smem:$0x3FB6]  }
0x2f: {  	lr =	sadd.s32 s0, s3;
	s0 =	sld [smem:$0x3FAD]  }
0x30: {  	s3 =	sld [smem:$0x3FB0]  }
0x31: {  	[smem:$0x3FB9] =	sst s10  }
0x32: {  	s10 =	sld [smem:$0x3FB7];
	_ =	sdelay $0x3  }
0x33: {  	p0 =	seq.s32 s10, $0x1;
	s10 =	sld [smem:$0x3FB9];
	_ =	sdelay $0x3  }
0x34: {  	[smem:$0x3FB9] =	sst s10  }
0x35: {  	s10 =	sld [smem:$0x3FB8];
	_ =	sdelay $0x3  }
0x36: {  	p1 =	seq.s32 s10, $0x1;
	s10 =	sld [smem:$0x3FB9];
	_ =	sdelay $0x3  }
0x37: {  	[smem:$0x3FB9] =	sst s10  }
0x38: {  	s10 =	sld [smem:$0x3FBA]  }
0x39: {  	_ = 	snop;
	(pc) =	sbr.ind lr, $3  }
0x3a: {  	_ = 	snop  }
0x3b: {  	_ = 	snop  }
0x3c: {  	p2 =	seq.s32 s10, $0x1;
	s10 =	sld [smem:$0x3FB9]  }
0x3d: {  	_ =	shalt  }
0x3e: {  	_ =	shalt  }
0x3f: {  	_ =	shalt  }
0x40: {  	_ =	shalt  }
0x41: {  	_ =	shalt  }
0x42: {  	_ =	shalt  }
0x43: {  	_ =	shalt  }
0x44: {  	_ =	shalt  }
0x45: {  	_ =	shalt  }
0x46: {  	_ =	shalt  }
0x47: {  	_ =	shalt  }
0x48: {  	_ =	shalt  }
0x49: {  	_ =	shalt  }
0x4a: {  	_ =	shalt  }
0x4b: {  	_ =	shalt  }
0x4c: {  	_ =	shalt  }
0x4d: {  	_ =	shalt  }
0x4e: {  	_ =	shalt  }
0x4f: {  	_ =	shalt  }
0x50: {  	_ =	shalt  }
0x51: {  	_ =	shalt  }
0x52: {  	_ =	shalt  }
0x53: {  	_ =	shalt  }
0x54: {  	_ =	shalt  }
0x55: {  	_ =	shalt  }
0x56: {  	_ =	shalt  }
0x57: {  	_ =	shalt  }
0x58: {  	_ =	shalt  }
0x59: {  	_ =	shalt  }
0x5a: {  	_ =	shalt  }
0x5b: {  	_ =	shalt  }
0x5c: {  	_ =	shalt  }
0x5d: {  	_ =	shalt  }
0x5e: {  	_ =	shalt  }
0x5f: {  	_ =	shalt  }
0x60: {  	_ =	shalt  }
0x61: {  	_ =	shalt  }
0x62: {  	_ =	shalt  }
0x63: {  	_ =	shalt  }
0x64: {  	_ =	shalt  }
0x65: {  	_ =	shalt  }
0x66: {  	_ =	shalt  }
0x67: {  	_ =	shalt  }
0x68: {  	_ =	shalt  }
0x69: {  	_ =	shalt  }
0x6a: {  	_ =	shalt  }
0x6b: {  	_ =	shalt  }
0x6c: {  	_ =	shalt  }
0x6d: {  	_ =	shalt  }
0x6e: {  	_ =	shalt  }
0x6f: {  	_ =	shalt  }
0x70: {  	_ =	shalt  }
0x71: {  	_ =	shalt  }
0x72: {  	_ =	shalt  }
0x73: {  	_ =	shalt  }
0x74: {  	_ =	shalt  }
0x75: {  	_ =	shalt  }
0x76: {  	_ =	shalt  }
0x77: {  	_ =	shalt  }
0x78: {  	_ =	shalt  }
0x79: {  	_ =	shalt  }
0x7a: {  	_ =	shalt  }
0x7b: {  	_ =	shalt  }
0x7c: {  	_ =	shalt  }
0x7d: {  	_ =	shalt  }
0x7e: {  	_ =	shalt  }
0x7f: {  	_ =	shalt  }
0x80: {  	_ =	shalt  }
0x81: {  	_ =	shalt  }
0x82: {  	_ =	shalt  }
0x83: {  	_ =	shalt  }
0x84: {  	_ =	shalt  }
0x85: {  	_ =	shalt  }
0x86: {  	_ =	shalt  }
0x87: {  	_ =	shalt  }
.Lfunc_end0:
.L_simem_size_0:
called_computation.1_lowered:
.L_overlay_start_0:
0x88: {  	s2 =	sld [smem:$0x3FD9]  }
0x89: {  	s3 =	sld [smem:$0x3FFE];
	_ =	sdelay $0x1  }
0x8a: {  	s1 =	srdreg.scid  }
0x8b: {  	s0 =	sand.u32 $0x1, s1  }
0x8c: {  	s17 =	sshll.u32 s0, $0xA;
	s2 =	sadd.s32 s3, s2  }
0x8d: {  	s2 =	sadd.s32 s2, s17  }
0x8e: {  	[smem:$0x3FC5] =	sst s2  }
0x8f: {  	_ = 	snop  }
0x90: {  	s2 =	sld [smem:$0x3FD0];
	(tm) =	ssettm $0x1  }
0x91: {  	s18 =	sld [smem:$0x3FFB];
	_ =	sdelay $0x3  }
0x92: {  	_ =	strace s18  }
0x93: {  	s3 =	sld [smem:$0x3FFC];
	_ =	sdelay $0x3  }
0x94: {  	_ =	strace s3  }
0x95: {  	s3 =	sld [smem:$0x3FFD];
	_ =	sdelay $0x3  }
0x96: {  	_ =	strace s3  }
0x97: {  	_ =	strace $0x8FFFFFFF  }
0x98: {  	s19 =	sld [smem:$0x3FDB];
	_ =	sdelay $0x1  }
0x99: {  	s4 =	simm.s32 $_scs_section_size  }
0x9a: {  	s5 =	simm.s32 $_size__tile_overlayer_lowered;
	s6 =	simm.s32 $_tile_overlayer_lowered  }
0x9b: {  	s22 =	simm.s32 $0x1BFF;
	s21 =	sshll.u32 s6, $0x1;
	s3 =	sadd.s32 s4, s19  }
0x9c: {  	s7 =	simm.s32 $0x0;
	s20 =	sshll.u32 s5, $0x1;
	s5 =	sadd.s32 s21, s3  }
0x9d: {  	[timem:s7], [sflag:s22] =	dma.local [hbm:s5], s20  }
0x9e: {  	_ =	swait.ge [sflag:s22], s20  }
0x9f: {  	s4 =	ssub.s32 $0x0, s20;
	[sflag:s22] =	ssyncset.done $0x0  }
0xa0: {  	[sflag:s22] =	ssyncadd.s32 s4;
	_ =	sdelay $0x1  }
0xa1: {  	s23 =	simm.s32 $0x1B8B  }
0xa2: {  	_ =	swait.ge [sflag:s23], $0x1  }
0xa3: {  	[sflag:s23] =	ssyncset.done $0x0  }
0xa4: {  	s25 =	simm.s32 $0x1B8E;
	s24 =	sld [smem:$0x3FFE];
	[sflag:s23] =	ssyncadd.s32 $0xFFFFFFFF  }
0xa5: {  	s26 =	simm.s32 $execute0_lowered;
	[smem:$0x3FD2] =	sst s25  }
0xa6: {  	s5 =	sshll.u32 s26, $0x1;
	_ =	strace $0x80000046;
	[dreg:$0x1] =	wrdreg $0xFFFFFFFF  }
0xa7: {  	s28 =	simm.s32 $_size_execute0_lowered;
	s3 =	sadd.s32 s3, s5;
	[dreg:$0x0] =	wrdreg $0x0  }
0xa8: {  	s5 =	sshll.u32 s28, $0x1;
	[dreg:$0x2] =	wrdreg s3  }
0xa9: {  	[dreg:$0x3] =	wrdreg s5  }
0xaa: {  	[dreg:$0x4] =	wrdreg $0xC0  }
0xab: {  	_ =	task [dreg:s7], $0x5FFFF  }
0xac: {  	[dreg:$0x1] =	wrdreg $0xFFFFFFFF  }
0xad: {  	[dreg:$0x0] =	wrdreg $0x60  }
0xae: {  	[dreg:$0x2] =	wrdreg s24  }
0xaf: {  	[dreg:$0x3] =	wrdreg s2  }
0xb0: {  	[dreg:$0x4] =	wrdreg $0x9  }
0xb1: {  	_ =	task.clear_ibuf [dreg:s7], $0x5FFFF;
	_ =	strace $0x90000046  }
0xb2: {  	s29 =	simm.s32 $0x9;
	_ =	strace $0x80000048  }
0xb3: {  	_ =	swait.ge [sflag:s29], $0x1  }
0xb4: {  	[sflag:s29] =	ssyncadd.s32 $0xFFFFFFFF  }
0xb5: {  	_ =	strace $0x90000048  }
0xb6: {  	_ =	sfence  }
0xb7: {  	s30 =	sld [smem:$0x0];
	_ =	sdelay $0x2  }
0xb8: {  	s31 =	sshll.u32 s1, $0xD;
	s1 =	sshrl.u32 s1, $0x2  }
0xb9: {  	s3 =	sand.u32 $0x4000, s31;
	s1 =	sadd.s32 s1, s30  }
0xba: {  	s0 =	sor.u32 s3, s0;
	s1 =	sshll.u32 s1, $0x11  }
0xbb: {  	s0 =	sor.u32 s1, s0  }
0xbc: {  	s0 =	sadd.s32 $0x8F2B, s0  }
0xbd: {  	[sflag:s0] =	ssyncadd.remote.s32 $0x1  }
0xbe: {  	_ =	sfence.sel $0xFFFF  }
0xbf: {  	[dreg:$0x0] =	wrdreg $0xFFFFFFFF;
	(pc) =	sbr.abs _section_cstart, $3  }
0xc0: {  	[dreg:$0x1] =	wrdreg $0xFFFFFFFF  }
0xc1: {  	_ =	task.clear_ibuf [dreg:s7], $0x2FFFF;
	_ =	strace $0x9FFFFFFF  }
0xc2: {  	(tm) =	ssettm $0x7FFFFFFF  }
0xc3: {  	_ =	shalt  }
tec
execute0_lowered:
.L_overlay_start_1:
0x0: {  	(tag) =	ssettag $0x1  }
0x1: {  	s0 =	srdreg.scid;
	s2 =	stileid.u32  }
0x2: {  	s0 =	sand.u32 $0x1, s0;
	s3 =	sshll.u32 s2, $0x1  }
0x3: {  	s1 =	rddreg [dreg:$0x0];
	s29 =	simm.s32 $0xC900;
	s7 =	sor.u32 s0, s3  }
0x4: {  	s30 =	simm.s32 $0x2680;
	s31 =	simm.s32 $0x1;
	s4 =	smul.u32 $0x340, s7  }
0x5: {  	s28 =	simm.s32 $0x12D00;
	s19 =	simm.s32 $0x4;
	s5 =	smul.u32 $0x1900, s7  }
0x6: {  	s2 =	rddreg [dreg:$0x1];
	s6 =	sadd.s32 $0x12C7000, s1;
	s10 =	smul.u32 $0x3200, s7  }
0x7: {  	s3 =	simm.s32 $0x0;
	s0 =	ssub.s32 $0x2, s0;
	s20 =	smul.u32 $0xC800, s7  }
0x8: {  	[smem:$0x7FF] =	sst s3;
	s9 =	sshrl.u32 s0, $0x1;
	s21 =	smul.u32 $0x19000, s7  }
0x9: {  	s7 =	smul.u32 $0x64000, s7;
	_ =	strace $0x80000047;
	s0 =	ssub.s32 s0, s9  }
0xa: {  	s8 =	sadd.s32 s4, s1;
	s4 =	sadd.s32 $0x320C00, s1;
	s1 =	sadd.s32 $0x7400, s1  }
0xb: {  	s9 =	sor.u32 $0xC8, s5;
	s23 =	sshrl.u32 s21, $0x3;
	s7 =	sshrl.u32 s7, $0x3  }
0xc: {  	s18 =	smax.u32 s0, $0x1;
	s21 =	simm.s32 $0x64;
	s0 =	simm.s32 $0x3  }
0xd: {  	[dreg:$0x3] =	wrdreg s1;
	s8 =	sadd.s32 $0xC00, s8;
	s10 =	sadd.s32 s4, s10  }
0xe: {  	s22 =	sshll.u32 s9, $0x1;
	s1 =	sadd.s32 s2, s20;
	[dreg:$0x4] =	wrdreg s8  }
0xf: {  	s24 =	sshll.u32 s9, $0x3;
	s7 =	sadd.s32 s2, s7;
	[dreg:$0x5] =	wrdreg s10  }
0x10: {  	s20 =	simm.s32 $0x5;
	s10 =	sadd.s32 s4, s22;
	[dreg:$0x7] =	wrdreg s1  }
0x11: {  	s1 =	sadd.s32 s4, s23;
	s8 =	sadd.s32 s2, s24;
	s26 =	sadd.s32 $0xBB80, s7  }
0x12: {  	s17 =	sadd.s32 $0xC1C0, s7;
	s22 =	simm.s32 $0x3300;
	[dreg:$0x6] =	wrdreg s10  }
0x13: {  	s24 =	simm.s32 $0x6500;
	s23 =	simm.s32 $0x1A00;
	[dreg:$0x9] =	wrdreg s8  }
0x14: {  	s7 =	simm.s32 $0x0;
	s25 =	sadd.s32 $0x320, s1;
	[dreg:$0xb] =	wrdreg s26  }
0x15: {  	s1 =	sadd.s32 $0x4B0, s1;
	s26 =	simm.s32 $0x9700;
	[dreg:$0x8] =	wrdreg s25  }
0x16: {  	[dreg:$0xa] =	wrdreg s1;
	s1 =	simm.s32 $0xFB00;
	s25 =	simm.s32 $0x2  }
.LBB2_1:
0x17: {  	s8 =	rddreg [dreg:$0x3];
	s10 =	simm.s32 $0x15F00  }
0x18: {  	[tilespmem:s10], [sflag:$0x5] =	stream.linear.gather [hbm4b:s8+s3], $0x3200, $0x38;
	[tilespmem:$0x19100] =	vst v63  }
0x19: {  	_ =	swait.ge [sflag:s20], $0x3200  }
0x1a: {  	[sflag:s20] =	ssyncset.done $0x0  }
0x1b: {  	s11 =	rddreg [dreg:$0x4];
	[sflag:s20] =	ssyncadd.s32 $0xFFFFCE00  }
0x1c: {  	[tilespmem:s3], [sflag:$0x5] =	stream.linear.gather [hbm4b:s11+s3], $0x1A00, $0x38;
	[tilespmem:$0x19100] =	vst v63  }
0x1d: {  	_ =	swait.ge [sflag:s20], $0x1A00  }
0x1e: {  	[sflag:s20] =	ssyncset.done $0x0  }
0x1f: {  	[sflag:s20] =	ssyncadd.s32 $0xFFFFE600  }
0x20: {  	[tilespmem:s22], [sflag:$0x1] =	stream.indirect.gather [hbm4b:s6+s21], $0x80, s3, s21, $0xb8;
	[tilespmem:$0x19100] =	vst v63  }
0x21: {  	s12 =	simm.s32 $0x68  }
0x22: {  	[tilespmem:s24], [sflag:$0x1] =	stream.indirect.gather [hbm4b:s6+s21], $0x80, s12, s21, $0xb8;
	[tilespmem:$0x19100] =	vst v63  }
0x23: {  	s13 =	rddreg [dreg:$0x5]  }
0x24: {  	[tilespmem:s23], [sflag:$0x1] =	stream.linear.gather [hbm4b:s13+s3], $0xC80, $0x38;
	[tilespmem:$0x19100] =	vst v63  }
0x25: {  	s14 =	simm.s32 $0xD0  }
0x26: {  	[tilespmem:s26], [sflag:$0x2] =	stream.indirect.gather [hbm4b:s6+s21], $0x80, s14, s21, $0xb8;
	[tilespmem:$0x19100] =	vst v63  }
0x27: {  	s15 =	simm.s32 $0x138  }
0x28: {  	[tilespmem:s29], [sflag:$0x2] =	stream.indirect.gather [hbm4b:s6+s21], $0x80, s15, s21, $0xb8;
	[tilespmem:$0x19100] =	vst v63  }
0x29: {  	s16 =	rddreg [dreg:$0x6]  }
0x2a: {  	[tilespmem:s30], [sflag:$0x2] =	stream.linear.gather [hbm4b:s16+s3], $0xC80, $0x38;
	[tilespmem:$0x19100] =	vst v63  }
0x2b: {  	_ =	swait.ge [sflag:s31], $0x3200  }
0x2c: {  	[sflag:s31] =	ssyncset.done $0x0  }
0x2d: {  	[sflag:s31] =	ssyncadd.s32 $0xFFFFCE00  }
0x2e: {  	_ =	swait.ge [sflag:s31], $0x3200  }
0x2f: {  	[sflag:s31] =	ssyncset.done $0x0  }
0x30: {  	[sflag:s31] =	ssyncadd.s32 $0xFFFFCE00  }
0x31: {  	_ =	swait.ge [sflag:s31], $0xC80  }
0x32: {  	[sflag:s31] =	ssyncset.done $0x0  }
0x33: {  	s8 =	simm.s32 $0x3340;
	[sflag:s31] =	ssyncadd.s32 $0xFFFFF380  }
0x34: {  	v0 =	vld [tilespmem:s8+$0x0]  }
0x35: {  	v1 =	vld [tilespmem:s8+$0xFFFFFFC0];
	_ =	sdelay $0x1  }
0x36: {  	v2 =	vld [tilespmem:s23+$0x0];
	_ =	sdelay $0x2  }
0x37: {  	s10 =	simm.s32 $0x0;
	v0 =	vsub.f32 v0, v1  }
0x38: {  	v3 =	vld [tilespmem:s10+$0x15F00]  }
0x39: {  	v0 =	vmul.f32 v0, v2;
	_ =	sdelay $0x1  }
0x3a: {  	v0 =	vadd.f32 v0, v1;
	_ =	sdelay $0x1  }
0x3b: {  	v0 =	vadd.f32 v0, v3;
	_ =	sdelay $0x1  }
0x3c: {  	[tilespmem:s10+$0xFB00] =	vst v0  }
0x3d: {  	v0 =	vld [tilespmem:s8+$0xFFFFFFD0]  }
0x3e: {  	v1 =	vld [tilespmem:s8+$0x10];
	_ =	sdelay $0x4  }
0x3f: {  	v1 =	vsub.f32 v1, v0  }
0x40: {  	v3 =	vld [tilespmem:s10+$0x15F10]  }
0x41: {  	v1 =	vmul.f32 v1, v2;
	_ =	sdelay $0x1  }
0x42: {  	v0 =	vadd.f32 v1, v0;
	_ =	sdelay $0x1  }
0x43: {  	v0 =	vadd.f32 v0, v3;
	_ =	sdelay $0x1  }
0x44: {  	[tilespmem:s10+$0xFB10] =	vst v0  }
0x45: {  	v0 =	vld [tilespmem:s8+$0xFFFFFFE0]  }
0x46: {  	v1 =	vld [tilespmem:s8+$0x20];
	_ =	sdelay $0x4  }
0x47: {  	v1 =	vsub.f32 v1, v0  }
0x48: {  	v3 =	vld [tilespmem:s10+$0x15F20]  }
0x49: {  	v1 =	vmul.f32 v1, v2;
	_ =	sdelay $0x1  }
0x4a: {  	v0 =	vadd.f32 v1, v0;
	_ =	sdelay $0x1  }
0x4b: {  	v0 =	vadd.f32 v0, v3;
	_ =	sdelay $0x1  }
0x4c: {  	[tilespmem:s10+$0xFB20] =	vst v0  }
0x4d: {  	v1 =	vld [tilespmem:s8+$0xFFFFFFF0]  }
0x4e: {  	v0 =	vld [tilespmem:s8+$0x30];
	_ =	sdelay $0x4  }
0x4f: {  	v0 =	vsub.f32 v0, v1;
	_ =	sdelay $0x1  }
0x50: {  	v2 =	vmul.f32 v0, v2;
	v0 =	vld [tilespmem:s10+$0x15F30];
	_ =	sdelay $0x2  }
0x51: {  	s11 =	simm.s32 $0x100;
	s12 =	simm.s32 $0x1A00;
	v1 =	vadd.f32 v2, v1  }
.LBB2_2:
0x52: {  	p0 =	sne.s32 s11, $0xC700;
	s8 =	sadd.s32 $0x80, s8;
	s12 =	sadd.s32 $0x10, s12  }
0x53: {  	s13 =	smov.u32 s11;
	s11 =	sadd.s32 $0x100, s11;
	v0 =	vadd.f32 v1, v0;
	_ =	sdelay $0x1  }
0x54: {  	[tilespmem:s10+$0xFB30] =	vst v0  }
0x55: {  	v0 =	vld [tilespmem:s8+$0x0]  }
0x56: {  	v1 =	vld [tilespmem:s8+$0xFFFFFFC0];
	_ =	sdelay $0x1  }
0x57: {  	v2 =	vld [tilespmem:s12+$0x0];
	_ =	sdelay $0x2  }
0x58: {  	s10 =	sshra.s32 s13, $0x2;
	v0 =	vsub.f32 v0, v1  }
0x59: {  	v3 =	vld [tilespmem:s10+$0x15F00]  }
0x5a: {  	v0 =	vmul.f32 v0, v2;
	_ =	sdelay $0x1  }
0x5b: {  	v0 =	vadd.f32 v0, v1;
	_ =	sdelay $0x1  }
0x5c: {  	v0 =	vadd.f32 v0, v3;
	_ =	sdelay $0x1  }
0x5d: {  	[tilespmem:s10+$0xFB00] =	vst v0  }
0x5e: {  	v0 =	vld [tilespmem:s8+$0xFFFFFFD0]  }
0x5f: {  	v1 =	vld [tilespmem:s8+$0x10];
	_ =	sdelay $0x4  }
0x60: {  	v1 =	vsub.f32 v1, v0;
	v3 =	vld [tilespmem:s10+$0x15F10];
	_ =	sdelay $0x1  }
0x61: {  	v1 =	vmul.f32 v1, v2;
	_ =	sdelay $0x1  }
0x62: {  	v0 =	vadd.f32 v1, v0;
	_ =	sdelay $0x1  }
0x63: {  	v0 =	vadd.f32 v0, v3;
	_ =	sdelay $0x1  }
0x64: {  	[tilespmem:s10+$0xFB10] =	vst v0  }
0x65: {  	v0 =	vld [tilespmem:s8+$0xFFFFFFE0]  }
0x66: {  	v1 =	vld [tilespmem:s8+$0x20];
	_ =	sdelay $0x3  }
0x67: {  	v3 =	vld [tilespmem:s10+$0x15F20]  }
0x68: {  	v1 =	vsub.f32 v1, v0;
	_ =	sdelay $0x1  }
0x69: {  	v1 =	vmul.f32 v1, v2;
	_ =	sdelay $0x1  }
0x6a: {  	v0 =	vadd.f32 v1, v0;
	_ =	sdelay $0x1  }
0x6b: {  	v0 =	vadd.f32 v0, v3;
	_ =	sdelay $0x1  }
0x6c: {  	[tilespmem:s10+$0xFB20] =	vst v0  }
0x6d: {  	v1 =	vld [tilespmem:s8+$0xFFFFFFF0]  }
0x6e: {  	v3 =	vld [tilespmem:s8+$0x30];
	_ =	sdelay $0x2  }
0x6f: {  	v0 =	vld [tilespmem:s10+$0x15F30];
	_ =	sdelay $0x1  }
.Ltmp0:
0x70: {  	v3 =	vsub.f32 v3, v1;
	(pc) =	sbr.rel @p0 .LBB2_2-.Ltmp0, $3  }
0x71: {  	_ = 	snop  }
0x72: {  	v2 =	vmul.f32 v3, v2;
	_ =	sdelay $0x1  }
0x73: {  	v1 =	vadd.f32 v2, v1  }
0x74: {  	_ = 	snop  }
0x75: {  	v0 =	vadd.f32 v1, v0;
	_ =	sdelay $0x1  }
0x76: {  	s8 =	simm.s32 $0x0;
	s13 =	rddreg [dreg:$0x7];
	[tilespmem:s10+$0xFB30] =	vst v0  }
0x77: {  	[hbm4b:s13+s8] =	stream.linear.scatter [tilespmem:s1], [sflag:$0x3], $0x3200, $0x38;
	[tilespmem:$0x19100] =	vst v63  }
0x78: {  	s14 =	simm.s32 $0x1A0  }
0x79: {  	[tilespmem:s22], [sflag:$0x1] =	stream.indirect.gather [hbm4b:s6+s21], $0x80, s14, s21, $0xb8;
	[tilespmem:$0x19100] =	vst v63  }
0x7a: {  	s15 =	simm.s32 $0x208  }
0x7b: {  	[tilespmem:s24], [sflag:$0x1] =	stream.indirect.gather [hbm4b:s6+s21], $0x80, s15, s21, $0xb8;
	[tilespmem:$0x19100] =	vst v63  }
0x7c: {  	s16 =	rddreg [dreg:$0x8]  }
0x7d: {  	[tilespmem:s23], [sflag:$0x1] =	stream.linear.gather [hbm4b:s16+s8], $0xC80, $0x38;
	[tilespmem:$0x19100] =	vst v63  }
0x7e: {  	_ =	swait.ge [sflag:s25], $0x3200  }
0x7f: {  	[sflag:s25] =	ssyncset.done $0x0  }
0x80: {  	[sflag:s25] =	ssyncadd.s32 $0xFFFFCE00  }
0x81: {  	_ =	swait.ge [sflag:s25], $0x3200  }
0x82: {  	[sflag:s25] =	ssyncset.done $0x0  }
0x83: {  	[sflag:s25] =	ssyncadd.s32 $0xFFFFCE00  }
0x84: {  	_ =	swait.ge [sflag:s25], $0xC80  }
0x85: {  	[sflag:s25] =	ssyncset.done $0x0  }
0x86: {  	s8 =	simm.s32 $0x9740;
	[sflag:s25] =	ssyncadd.s32 $0xFFFFF380  }
0x87: {  	v0 =	vld [tilespmem:s8+$0x0]  }
0x88: {  	v1 =	vld [tilespmem:s8+$0xFFFFFFC0]  }
0x89: {  	s10 =	simm.s32 $0x2680  }
0x8a: {  	v2 =	vld [tilespmem:s10+$0x0];
	_ =	sdelay $0x2  }
0x8b: {  	s11 =	simm.s32 $0x0;
	v0 =	vsub.f32 v0, v1  }
0x8c: {  	v3 =	vld [tilespmem:s11+$0x15F00]  }
0x8d: {  	v0 =	vmul.f32 v0, v2;
	_ =	sdelay $0x1  }
0x8e: {  	v0 =	vadd.f32 v0, v1;
	_ =	sdelay $0x1  }
0x8f: {  	v0 =	vadd.f32 v0, v3;
	_ =	sdelay $0x1  }
0x90: {  	[tilespmem:s11+$0x12D00] =	vst v0  }
0x91: {  	v0 =	vld [tilespmem:s8+$0xFFFFFFD0]  }
0x92: {  	v1 =	vld [tilespmem:s8+$0x10];
	_ =	sdelay $0x4  }
0x93: {  	v1 =	vsub.f32 v1, v0  }
0x94: {  	v3 =	vld [tilespmem:s11+$0x15F10]  }
0x95: {  	v1 =	vmul.f32 v1, v2;
	_ =	sdelay $0x1  }
0x96: {  	v0 =	vadd.f32 v1, v0;
	_ =	sdelay $0x1  }
0x97: {  	v0 =	vadd.f32 v0, v3;
	_ =	sdelay $0x1  }
0x98: {  	[tilespmem:s11+$0x12D10] =	vst v0  }
0x99: {  	v0 =	vld [tilespmem:s8+$0xFFFFFFE0]  }
0x9a: {  	v1 =	vld [tilespmem:s8+$0x20];
	_ =	sdelay $0x4  }
0x9b: {  	v1 =	vsub.f32 v1, v0  }
0x9c: {  	v3 =	vld [tilespmem:s11+$0x15F20]  }
0x9d: {  	v1 =	vmul.f32 v1, v2;
	_ =	sdelay $0x1  }
0x9e: {  	v0 =	vadd.f32 v1, v0;
	_ =	sdelay $0x1  }
0x9f: {  	v0 =	vadd.f32 v0, v3;
	_ =	sdelay $0x1  }
0xa0: {  	[tilespmem:s11+$0x12D20] =	vst v0  }
0xa1: {  	v1 =	vld [tilespmem:s8+$0xFFFFFFF0]  }
0xa2: {  	v0 =	vld [tilespmem:s8+$0x30];
	_ =	sdelay $0x4  }
0xa3: {  	v0 =	vsub.f32 v0, v1;
	_ =	sdelay $0x1  }
0xa4: {  	v2 =	vmul.f32 v0, v2;
	v0 =	vld [tilespmem:s11+$0x15F30];
	_ =	sdelay $0x2  }
0xa5: {  	s12 =	simm.s32 $0x100;
	v1 =	vadd.f32 v2, v1  }
.LBB2_4:
0xa6: {  	p0 =	sne.s32 s12, $0xC700;
	s8 =	sadd.s32 $0x80, s8;
	s10 =	sadd.s32 $0x10, s10  }
0xa7: {  	s13 =	smov.u32 s12;
	s12 =	sadd.s32 $0x100, s12;
	v0 =	vadd.f32 v1, v0;
	_ =	sdelay $0x1  }
0xa8: {  	[tilespmem:s11+$0x12D30] =	vst v0  }
0xa9: {  	v0 =	vld [tilespmem:s8+$0x0]  }
0xaa: {  	v1 =	vld [tilespmem:s8+$0xFFFFFFC0];
	_ =	sdelay $0x1  }
0xab: {  	v2 =	vld [tilespmem:s10+$0x0];
	_ =	sdelay $0x2  }
0xac: {  	s11 =	sshra.s32 s13, $0x2;
	v0 =	vsub.f32 v0, v1  }
0xad: {  	v3 =	vld [tilespmem:s11+$0x15F00]  }
0xae: {  	v0 =	vmul.f32 v0, v2;
	_ =	sdelay $0x1  }
0xaf: {  	v0 =	vadd.f32 v0, v1;
	_ =	sdelay $0x1  }
0xb0: {  	v0 =	vadd.f32 v0, v3;
	_ =	sdelay $0x1  }
0xb1: {  	[tilespmem:s11+$0x12D00] =	vst v0  }
0xb2: {  	v0 =	vld [tilespmem:s8+$0xFFFFFFD0]  }
0xb3: {  	v1 =	vld [tilespmem:s8+$0x10];
	_ =	sdelay $0x4  }
0xb4: {  	v1 =	vsub.f32 v1, v0;
	v3 =	vld [tilespmem:s11+$0x15F10];
	_ =	sdelay $0x1  }
0xb5: {  	v1 =	vmul.f32 v1, v2;
	_ =	sdelay $0x1  }
0xb6: {  	v0 =	vadd.f32 v1, v0;
	_ =	sdelay $0x1  }
0xb7: {  	v0 =	vadd.f32 v0, v3;
	_ =	sdelay $0x1  }
0xb8: {  	[tilespmem:s11+$0x12D10] =	vst v0  }
0xb9: {  	v0 =	vld [tilespmem:s8+$0xFFFFFFE0]  }
0xba: {  	v1 =	vld [tilespmem:s8+$0x20];
	_ =	sdelay $0x3  }
0xbb: {  	v3 =	vld [tilespmem:s11+$0x15F20]  }
0xbc: {  	v1 =	vsub.f32 v1, v0;
	_ =	sdelay $0x1  }
0xbd: {  	v1 =	vmul.f32 v1, v2;
	_ =	sdelay $0x1  }
0xbe: {  	v0 =	vadd.f32 v1, v0;
	_ =	sdelay $0x1  }
0xbf: {  	v0 =	vadd.f32 v0, v3;
	_ =	sdelay $0x1  }
0xc0: {  	[tilespmem:s11+$0x12D20] =	vst v0  }
0xc1: {  	v1 =	vld [tilespmem:s8+$0xFFFFFFF0]  }
0xc2: {  	v3 =	vld [tilespmem:s8+$0x30];
	_ =	sdelay $0x2  }
0xc3: {  	v0 =	vld [tilespmem:s11+$0x15F30];
	_ =	sdelay $0x1  }
.Ltmp1:
0xc4: {  	v3 =	vsub.f32 v3, v1;
	(pc) =	sbr.rel @p0 .LBB2_4-.Ltmp1, $3  }
0xc5: {  	_ = 	snop  }
0xc6: {  	v2 =	vmul.f32 v3, v2;
	_ =	sdelay $0x1  }
0xc7: {  	v1 =	vadd.f32 v2, v1  }
0xc8: {  	_ = 	snop  }
0xc9: {  	v0 =	vadd.f32 v1, v0;
	_ =	sdelay $0x1  }
0xca: {  	s8 =	rddreg [dreg:$0x9];
	[tilespmem:s11+$0x12D30] =	vst v0  }
0xcb: {  	[hbm4b:s8+s3] =	stream.linear.scatter [tilespmem:s28], [sflag:$0x4], $0x3200, $0x38;
	[tilespmem:$0x19100] =	vst v63  }
0xcc: {  	s14 =	simm.s32 $0x270  }
0xcd: {  	[tilespmem:s26], [sflag:$0x2] =	stream.indirect.gather [hbm4b:s6+s21], $0x80, s14, s21, $0xb8;
	[tilespmem:$0x19100] =	vst v63  }
0xce: {  	s15 =	simm.s32 $0x2D8  }
0xcf: {  	[tilespmem:s29], [sflag:$0x2] =	stream.indirect.gather [hbm4b:s6+s21], $0x80, s15, s21, $0xb8;
	[tilespmem:$0x19100] =	vst v63  }
0xd0: {  	s16 =	rddreg [dreg:$0xa];
	s8 =	simm.s32 $0x1  }
0xd1: {  	[tilespmem:s30], [sflag:$0x2] =	stream.linear.gather [hbm4b:s16+s3], $0xC80, $0x38;
	[tilespmem:$0x19100] =	vst v63  }
.LBB2_6:
0xd2: {  	_ =	swait.ge [sflag:s31], $0x3200  }
0xd3: {  	[sflag:s31] =	ssyncset.done $0x0  }
0xd4: {  	[sflag:s31] =	ssyncadd.s32 $0xFFFFCE00  }
0xd5: {  	_ =	swait.ge [sflag:s31], $0x3200  }
0xd6: {  	[sflag:s31] =	ssyncset.done $0x0  }
0xd7: {  	[sflag:s31] =	ssyncadd.s32 $0xFFFFCE00  }
0xd8: {  	_ =	swait.ge [sflag:s31], $0xC80  }
0xd9: {  	[sflag:s31] =	ssyncset.done $0x0  }
0xda: {  	[sflag:s31] =	ssyncadd.s32 $0xFFFFF380  }
0xdb: {  	_ =	swait.ge [sflag:s0], $0x3200  }
0xdc: {  	[sflag:s0] =	ssyncset.done $0x0  }
0xdd: {  	s10 =	simm.s32 $0x3340;
	[sflag:s0] =	ssyncadd.s32 $0xFFFFCE00  }
0xde: {  	v0 =	vld [tilespmem:s10+$0x0]  }
0xdf: {  	v1 =	vld [tilespmem:s10+$0xFFFFFFC0]  }
0xe0: {  	s11 =	simm.s32 $0x1A00  }
0xe1: {  	v2 =	vld [tilespmem:s11+$0x0];
	_ =	sdelay $0x2  }
0xe2: {  	s12 =	simm.s32 $0x0;
	v0 =	vsub.f32 v0, v1  }
0xe3: {  	v3 =	vld [tilespmem:s12+$0x15F00]  }
0xe4: {  	v0 =	vmul.f32 v0, v2;
	_ =	sdelay $0x1  }
0xe5: {  	v0 =	vadd.f32 v0, v1;
	_ =	sdelay $0x1  }
0xe6: {  	v0 =	vadd.f32 v0, v3;
	_ =	sdelay $0x1  }
0xe7: {  	[tilespmem:s12+$0xFB00] =	vst v0  }
0xe8: {  	v0 =	vld [tilespmem:s10+$0xFFFFFFD0]  }
0xe9: {  	v1 =	vld [tilespmem:s10+$0x10];
	_ =	sdelay $0x4  }
0xea: {  	v1 =	vsub.f32 v1, v0  }
0xeb: {  	v3 =	vld [tilespmem:s12+$0x15F10]  }
0xec: {  	v1 =	vmul.f32 v1, v2;
	_ =	sdelay $0x1  }
0xed: {  	v0 =	vadd.f32 v1, v0;
	_ =	sdelay $0x1  }
0xee: {  	v0 =	vadd.f32 v0, v3;
	_ =	sdelay $0x1  }
0xef: {  	[tilespmem:s12+$0xFB10] =	vst v0  }
0xf0: {  	v0 =	vld [tilespmem:s10+$0xFFFFFFE0]  }
0xf1: {  	v1 =	vld [tilespmem:s10+$0x20];
	_ =	sdelay $0x4  }
0xf2: {  	v1 =	vsub.f32 v1, v0  }
0xf3: {  	v3 =	vld [tilespmem:s12+$0x15F20]  }
0xf4: {  	v1 =	vmul.f32 v1, v2;
	_ =	sdelay $0x1  }
0xf5: {  	v0 =	vadd.f32 v1, v0;
	_ =	sdelay $0x1  }
0xf6: {  	v0 =	vadd.f32 v0, v3;
	_ =	sdelay $0x1  }
0xf7: {  	[tilespmem:s12+$0xFB20] =	vst v0  }
0xf8: {  	v1 =	vld [tilespmem:s10+$0xFFFFFFF0]  }
0xf9: {  	v0 =	vld [tilespmem:s10+$0x30];
	_ =	sdelay $0x4  }
0xfa: {  	v0 =	vsub.f32 v0, v1;
	_ =	sdelay $0x1  }
0xfb: {  	v2 =	vmul.f32 v0, v2;
	v0 =	vld [tilespmem:s12+$0x15F30];
	_ =	sdelay $0x2  }
0xfc: {  	s13 =	simm.s32 $0x100;
	v1 =	vadd.f32 v2, v1  }
.LBB2_7:
0xfd: {  	p0 =	sne.s32 s13, $0xC700;
	s10 =	sadd.s32 $0x80, s10;
	s11 =	sadd.s32 $0x10, s11  }
0xfe: {  	s14 =	smov.u32 s13;
	s13 =	sadd.s32 $0x100, s13;
	v0 =	vadd.f32 v1, v0;
	_ =	sdelay $0x1  }
0xff: {  	[tilespmem:s12+$0xFB30] =	vst v0  }
0x100: {  	v0 =	vld [tilespmem:s10+$0x0]  }
0x101: {  	v1 =	vld [tilespmem:s10+$0xFFFFFFC0];
	_ =	sdelay $0x1  }
0x102: {  	v2 =	vld [tilespmem:s11+$0x0];
	_ =	sdelay $0x2  }
0x103: {  	s12 =	sshra.s32 s14, $0x2;
	v0 =	vsub.f32 v0, v1  }
0x104: {  	v3 =	vld [tilespmem:s12+$0x15F00]  }
0x105: {  	v0 =	vmul.f32 v0, v2;
	_ =	sdelay $0x1  }
0x106: {  	v0 =	vadd.f32 v0, v1;
	_ =	sdelay $0x1  }
0x107: {  	v0 =	vadd.f32 v0, v3;
	_ =	sdelay $0x1  }
0x108: {  	[tilespmem:s12+$0xFB00] =	vst v0  }
0x109: {  	v0 =	vld [tilespmem:s10+$0xFFFFFFD0]  }
0x10a: {  	v1 =	vld [tilespmem:s10+$0x10];
	_ =	sdelay $0x4  }
0x10b: {  	v1 =	vsub.f32 v1, v0;
	v3 =	vld [tilespmem:s12+$0x15F10];
	_ =	sdelay $0x1  }
0x10c: {  	v1 =	vmul.f32 v1, v2;
	_ =	sdelay $0x1  }
0x10d: {  	v0 =	vadd.f32 v1, v0;
	_ =	sdelay $0x1  }
0x10e: {  	v0 =	vadd.f32 v0, v3;
	_ =	sdelay $0x1  }
0x10f: {  	[tilespmem:s12+$0xFB10] =	vst v0  }
0x110: {  	v0 =	vld [tilespmem:s10+$0xFFFFFFE0]  }
0x111: {  	v1 =	vld [tilespmem:s10+$0x20];
	_ =	sdelay $0x3  }
0x112: {  	v3 =	vld [tilespmem:s12+$0x15F20]  }
0x113: {  	v1 =	vsub.f32 v1, v0;
	_ =	sdelay $0x1  }
0x114: {  	v1 =	vmul.f32 v1, v2;
	_ =	sdelay $0x1  }
0x115: {  	v0 =	vadd.f32 v1, v0;
	_ =	sdelay $0x1  }
0x116: {  	v0 =	vadd.f32 v0, v3;
	_ =	sdelay $0x1  }
0x117: {  	[tilespmem:s12+$0xFB20] =	vst v0  }
0x118: {  	v1 =	vld [tilespmem:s10+$0xFFFFFFF0]  }
0x119: {  	v3 =	vld [tilespmem:s10+$0x30];
	_ =	sdelay $0x2  }
0x11a: {  	v0 =	vld [tilespmem:s12+$0x15F30];
	_ =	sdelay $0x1  }
.Ltmp2:
0x11b: {  	v3 =	vsub.f32 v3, v1;
	(pc) =	sbr.rel @p0 .LBB2_7-.Ltmp2, $3  }
0x11c: {  	_ = 	snop  }
0x11d: {  	v2 =	vmul.f32 v3, v2;
	_ =	sdelay $0x1  }
0x11e: {  	v1 =	vadd.f32 v2, v1  }
0x11f: {  	s11 =	smul.u32 $0x190, s8;
	_ =	sdelay $0x1  }
0x120: {  	s13 =	sadd.s32 s5, s11  }
0x121: {  	s10 =	sshll.u32 s8, $0x1;
	v0 =	vadd.f32 v1, v0;
	s13 =	sshll.u32 s13, $0x3  }
0x122: {  	s14 =	sadd.s32 $0x2, s10;
	s13 =	sand.u32 $0x1FFFFF80, s13  }
0x123: {  	s15 =	smul.u32 $0x340, s14;
	[tilespmem:s12+$0xFB30] =	vst v0;
	s16 =	sadd.s32 s2, s13;
	s13 =	simm.s32 $0x0  }
0x124: {  	[hbm4b:s16+s13] =	stream.linear.scatter [tilespmem:s1], [sflag:$0x3], $0x3200, $0x38;
	[tilespmem:$0x19100] =	vst v63  }
0x125: {  	s14 =	smul.u32 $0xC8, s14;
	s15 =	sshra.s32 s15, $0x2  }
0x126: {  	[tilespmem:s22], [sflag:$0x1] =	stream.indirect.gather [hbm4b:s6+s21], $0x80, s15, s21, $0xb8;
	[tilespmem:$0x19100] =	vst v63  }
0x127: {  	s12 =	sadd.s32 $0x68, s15;
	s16 =	sadd.s32 s5, s14  }
0x128: {  	[tilespmem:s24], [sflag:$0x1] =	stream.indirect.gather [hbm4b:s6+s21], $0x80, s12, s21, $0xb8;
	[tilespmem:$0x19100] =	vst v63  }
0x129: {  	s12 =	sshll.u32 s16, $0x1  }
0x12a: {  	s12 =	sadd.s32 s4, s12  }
0x12b: {  	[tilespmem:s23], [sflag:$0x1] =	stream.linear.gather [hbm4b:s12+s13], $0xC80, $0x38;
	[tilespmem:$0x19100] =	vst v63  }
0x12c: {  	_ =	swait.ge [sflag:s25], $0x3200  }
0x12d: {  	[sflag:s25] =	ssyncset.done $0x0  }
0x12e: {  	[sflag:s25] =	ssyncadd.s32 $0xFFFFCE00  }
0x12f: {  	_ =	swait.ge [sflag:s25], $0x3200  }
0x130: {  	[sflag:s25] =	ssyncset.done $0x0  }
0x131: {  	[sflag:s25] =	ssyncadd.s32 $0xFFFFCE00  }
0x132: {  	_ =	swait.ge [sflag:s25], $0xC80  }
0x133: {  	[sflag:s25] =	ssyncset.done $0x0  }
0x134: {  	[sflag:s25] =	ssyncadd.s32 $0xFFFFF380  }
0x135: {  	_ =	swait.ge [sflag:s19], $0x3200  }
0x136: {  	[sflag:s19] =	ssyncset.done $0x0  }
0x137: {  	s12 =	simm.s32 $0x9740;
	[sflag:s19] =	ssyncadd.s32 $0xFFFFCE00  }
0x138: {  	v0 =	vld [tilespmem:s12+$0x0]  }
0x139: {  	v1 =	vld [tilespmem:s12+$0xFFFFFFC0]  }
0x13a: {  	s13 =	simm.s32 $0x2680  }
0x13b: {  	v2 =	vld [tilespmem:s13+$0x0];
	_ =	sdelay $0x2  }
0x13c: {  	s14 =	simm.s32 $0x0;
	v0 =	vsub.f32 v0, v1  }
0x13d: {  	v3 =	vld [tilespmem:s14+$0x15F00]  }
0x13e: {  	v0 =	vmul.f32 v0, v2;
	_ =	sdelay $0x1  }
0x13f: {  	v0 =	vadd.f32 v0, v1;
	_ =	sdelay $0x1  }
0x140: {  	v0 =	vadd.f32 v0, v3;
	_ =	sdelay $0x1  }
0x141: {  	[tilespmem:s14+$0x12D00] =	vst v0  }
0x142: {  	v0 =	vld [tilespmem:s12+$0xFFFFFFD0]  }
0x143: {  	v1 =	vld [tilespmem:s12+$0x10];
	_ =	sdelay $0x4  }
0x144: {  	v1 =	vsub.f32 v1, v0  }
0x145: {  	v3 =	vld [tilespmem:s14+$0x15F10]  }
0x146: {  	v1 =	vmul.f32 v1, v2;
	_ =	sdelay $0x1  }
0x147: {  	v0 =	vadd.f32 v1, v0;
	_ =	sdelay $0x1  }
0x148: {  	v0 =	vadd.f32 v0, v3;
	_ =	sdelay $0x1  }
0x149: {  	[tilespmem:s14+$0x12D10] =	vst v0  }
0x14a: {  	v0 =	vld [tilespmem:s12+$0xFFFFFFE0]  }
0x14b: {  	v1 =	vld [tilespmem:s12+$0x20];
	_ =	sdelay $0x4  }
0x14c: {  	v1 =	vsub.f32 v1, v0  }
0x14d: {  	v3 =	vld [tilespmem:s14+$0x15F20]  }
0x14e: {  	v1 =	vmul.f32 v1, v2;
	_ =	sdelay $0x1  }
0x14f: {  	v0 =	vadd.f32 v1, v0;
	_ =	sdelay $0x1  }
0x150: {  	v0 =	vadd.f32 v0, v3;
	_ =	sdelay $0x1  }
0x151: {  	[tilespmem:s14+$0x12D20] =	vst v0  }
0x152: {  	v1 =	vld [tilespmem:s12+$0xFFFFFFF0]  }
0x153: {  	v0 =	vld [tilespmem:s12+$0x30];
	_ =	sdelay $0x4  }
0x154: {  	v0 =	vsub.f32 v0, v1;
	_ =	sdelay $0x1  }
0x155: {  	v2 =	vmul.f32 v0, v2;
	v0 =	vld [tilespmem:s14+$0x15F30];
	_ =	sdelay $0x2  }
0x156: {  	s15 =	simm.s32 $0x100;
	v1 =	vadd.f32 v2, v1  }
.LBB2_9:
0x157: {  	p0 =	sne.s32 s15, $0xC700;
	s12 =	sadd.s32 $0x80, s12;
	s13 =	sadd.s32 $0x10, s13  }
0x158: {  	s16 =	smov.u32 s15;
	s15 =	sadd.s32 $0x100, s15;
	v0 =	vadd.f32 v1, v0;
	_ =	sdelay $0x1  }
0x159: {  	[tilespmem:s14+$0x12D30] =	vst v0  }
0x15a: {  	v0 =	vld [tilespmem:s12+$0x0]  }
0x15b: {  	v1 =	vld [tilespmem:s12+$0xFFFFFFC0];
	_ =	sdelay $0x1  }
0x15c: {  	v2 =	vld [tilespmem:s13+$0x0];
	_ =	sdelay $0x2  }
0x15d: {  	s14 =	sshra.s32 s16, $0x2;
	v0 =	vsub.f32 v0, v1  }
0x15e: {  	v3 =	vld [tilespmem:s14+$0x15F00]  }
0x15f: {  	v0 =	vmul.f32 v0, v2;
	_ =	sdelay $0x1  }
0x160: {  	v0 =	vadd.f32 v0, v1;
	_ =	sdelay $0x1  }
0x161: {  	v0 =	vadd.f32 v0, v3;
	_ =	sdelay $0x1  }
0x162: {  	[tilespmem:s14+$0x12D00] =	vst v0  }
0x163: {  	v0 =	vld [tilespmem:s12+$0xFFFFFFD0]  }
0x164: {  	v1 =	vld [tilespmem:s12+$0x10];
	_ =	sdelay $0x4  }
0x165: {  	v1 =	vsub.f32 v1, v0;
	v3 =	vld [tilespmem:s14+$0x15F10];
	_ =	sdelay $0x1  }
0x166: {  	v1 =	vmul.f32 v1, v2;
	_ =	sdelay $0x1  }
0x167: {  	v0 =	vadd.f32 v1, v0;
	_ =	sdelay $0x1  }
0x168: {  	v0 =	vadd.f32 v0, v3;
	_ =	sdelay $0x1  }
0x169: {  	[tilespmem:s14+$0x12D10] =	vst v0  }
0x16a: {  	v0 =	vld [tilespmem:s12+$0xFFFFFFE0]  }
0x16b: {  	v1 =	vld [tilespmem:s12+$0x20];
	_ =	sdelay $0x3  }
0x16c: {  	v3 =	vld [tilespmem:s14+$0x15F20]  }
0x16d: {  	v1 =	vsub.f32 v1, v0;
	_ =	sdelay $0x1  }
0x16e: {  	v1 =	vmul.f32 v1, v2;
	_ =	sdelay $0x1  }
0x16f: {  	v0 =	vadd.f32 v1, v0;
	_ =	sdelay $0x1  }
0x170: {  	v0 =	vadd.f32 v0, v3;
	_ =	sdelay $0x1  }
0x171: {  	[tilespmem:s14+$0x12D20] =	vst v0  }
0x172: {  	v1 =	vld [tilespmem:s12+$0xFFFFFFF0]  }
0x173: {  	v3 =	vld [tilespmem:s12+$0x30];
	_ =	sdelay $0x2  }
0x174: {  	v0 =	vld [tilespmem:s14+$0x15F30];
	_ =	sdelay $0x1  }
.Ltmp3:
0x175: {  	v3 =	vsub.f32 v3, v1;
	(pc) =	sbr.rel @p0 .LBB2_9-.Ltmp3, $3  }
0x176: {  	_ = 	snop  }
0x177: {  	v2 =	vmul.f32 v3, v2;
	_ =	sdelay $0x1  }
0x178: {  	v1 =	vadd.f32 v2, v1  }
0x179: {  	s11 =	sadd.s32 s11, s9  }
0x17a: {  	s10 =	sadd.s32 $0x3, s10;
	v0 =	vadd.f32 v1, v0;
	s11 =	sshll.u32 s11, $0x3  }
0x17b: {  	s12 =	smul.u32 $0x340, s10;
	s11 =	sand.u32 $0x1FFFFFC0, s11  }
0x17c: {  	s8 =	sadd.s32 $0x1, s8;
	s10 =	smul.u32 $0xC8, s10;
	[tilespmem:s14+$0x12D30] =	vst v0;
	s11 =	sadd.s32 s2, s11  }
0x17d: {  	[hbm4b:s11+s3] =	stream.linear.scatter [tilespmem:s28], [sflag:$0x4], $0x3200, $0x38;
	[tilespmem:$0x19100] =	vst v63  }
0x17e: {  	p0 =	sne.s32 s8, $0xF;
	s16 =	sshra.s32 s12, $0x2;
	s10 =	sadd.s32 s5, s10  }
0x17f: {  	[tilespmem:s26], [sflag:$0x2] =	stream.indirect.gather [hbm4b:s6+s21], $0x80, s16, s21, $0xb8;
	[tilespmem:$0x19100] =	vst v63  }
.Ltmp4:
0x180: {  	s10 =	sshll.u32 s10, $0x1;
	(pc) =	sbr.rel @p0 .LBB2_6-.Ltmp4, $4  }
0x181: {  	s11 =	sadd.s32 $0x68, s16;
	s10 =	sand.u32 $0x1FFFFFF0, s10  }
0x182: {  	[tilespmem:s29], [sflag:$0x2] =	stream.indirect.gather [hbm4b:s6+s21], $0x80, s11, s21, $0xb8;
	[tilespmem:$0x19100] =	vst v63  }
0x183: {  	s10 =	sadd.s32 s4, s10  }
0x184: {  	[tilespmem:s30], [sflag:$0x2] =	stream.linear.gather [hbm4b:s10+s3], $0xC80, $0x38;
	[tilespmem:$0x19100] =	vst v63  }
0x185: {  	_ =	swait.ge [sflag:s31], $0x3200  }
0x186: {  	[sflag:s31] =	ssyncset.done $0x0  }
0x187: {  	[sflag:s31] =	ssyncadd.s32 $0xFFFFCE00  }
0x188: {  	_ =	swait.ge [sflag:s31], $0x3200  }
0x189: {  	[sflag:s31] =	ssyncset.done $0x0  }
0x18a: {  	[sflag:s31] =	ssyncadd.s32 $0xFFFFCE00  }
0x18b: {  	_ =	swait.ge [sflag:s31], $0xC80  }
0x18c: {  	[sflag:s31] =	ssyncset.done $0x0  }
0x18d: {  	[sflag:s31] =	ssyncadd.s32 $0xFFFFF380  }
0x18e: {  	_ =	swait.ge [sflag:s0], $0x3200  }
0x18f: {  	[sflag:s0] =	ssyncset.done $0x0  }
0x190: {  	s8 =	simm.s32 $0x3340;
	[sflag:s0] =	ssyncadd.s32 $0xFFFFCE00  }
0x191: {  	v0 =	vld [tilespmem:s8+$0x0]  }
0x192: {  	v1 =	vld [tilespmem:s8+$0xFFFFFFC0]  }
0x193: {  	s10 =	simm.s32 $0x1A00  }
0x194: {  	v2 =	vld [tilespmem:s10+$0x0];
	_ =	sdelay $0x2  }
0x195: {  	s11 =	simm.s32 $0x0;
	v0 =	vsub.f32 v0, v1  }
0x196: {  	v3 =	vld [tilespmem:s11+$0x15F00]  }
0x197: {  	v0 =	vmul.f32 v0, v2;
	_ =	sdelay $0x1  }
0x198: {  	v0 =	vadd.f32 v0, v1;
	_ =	sdelay $0x1  }
0x199: {  	v0 =	vadd.f32 v0, v3;
	_ =	sdelay $0x1  }
0x19a: {  	[tilespmem:s11+$0xFB00] =	vst v0  }
0x19b: {  	v0 =	vld [tilespmem:s8+$0xFFFFFFD0]  }
0x19c: {  	v1 =	vld [tilespmem:s8+$0x10];
	_ =	sdelay $0x4  }
0x19d: {  	v1 =	vsub.f32 v1, v0  }
0x19e: {  	v3 =	vld [tilespmem:s11+$0x15F10]  }
0x19f: {  	v1 =	vmul.f32 v1, v2;
	_ =	sdelay $0x1  }
0x1a0: {  	v0 =	vadd.f32 v1, v0;
	_ =	sdelay $0x1  }
0x1a1: {  	v0 =	vadd.f32 v0, v3;
	_ =	sdelay $0x1  }
0x1a2: {  	[tilespmem:s11+$0xFB10] =	vst v0  }
0x1a3: {  	v0 =	vld [tilespmem:s8+$0xFFFFFFE0]  }
0x1a4: {  	v1 =	vld [tilespmem:s8+$0x20];
	_ =	sdelay $0x4  }
0x1a5: {  	v1 =	vsub.f32 v1, v0  }
0x1a6: {  	v3 =	vld [tilespmem:s11+$0x15F20]  }
0x1a7: {  	v1 =	vmul.f32 v1, v2;
	_ =	sdelay $0x1  }
0x1a8: {  	v0 =	vadd.f32 v1, v0;
	_ =	sdelay $0x1  }
0x1a9: {  	v0 =	vadd.f32 v0, v3;
	_ =	sdelay $0x1  }
0x1aa: {  	[tilespmem:s11+$0xFB20] =	vst v0  }
0x1ab: {  	v1 =	vld [tilespmem:s8+$0xFFFFFFF0]  }
0x1ac: {  	v0 =	vld [tilespmem:s8+$0x30];
	_ =	sdelay $0x4  }
0x1ad: {  	v0 =	vsub.f32 v0, v1;
	_ =	sdelay $0x1  }
0x1ae: {  	v2 =	vmul.f32 v0, v2;
	v0 =	vld [tilespmem:s11+$0x15F30];
	_ =	sdelay $0x2  }
0x1af: {  	s12 =	simm.s32 $0x100;
	v1 =	vadd.f32 v2, v1  }
.LBB2_12:
0x1b0: {  	p0 =	sne.s32 s12, $0xC700;
	s8 =	sadd.s32 $0x80, s8;
	s10 =	sadd.s32 $0x10, s10  }
0x1b1: {  	s13 =	smov.u32 s12;
	s12 =	sadd.s32 $0x100, s12;
	v0 =	vadd.f32 v1, v0;
	_ =	sdelay $0x1  }
0x1b2: {  	[tilespmem:s11+$0xFB30] =	vst v0  }
0x1b3: {  	v0 =	vld [tilespmem:s8+$0x0]  }
0x1b4: {  	v1 =	vld [tilespmem:s8+$0xFFFFFFC0];
	_ =	sdelay $0x1  }
0x1b5: {  	v2 =	vld [tilespmem:s10+$0x0];
	_ =	sdelay $0x2  }
0x1b6: {  	s11 =	sshra.s32 s13, $0x2;
	v0 =	vsub.f32 v0, v1  }
0x1b7: {  	v3 =	vld [tilespmem:s11+$0x15F00]  }
0x1b8: {  	v0 =	vmul.f32 v0, v2;
	_ =	sdelay $0x1  }
0x1b9: {  	v0 =	vadd.f32 v0, v1;
	_ =	sdelay $0x1  }
0x1ba: {  	v0 =	vadd.f32 v0, v3;
	_ =	sdelay $0x1  }
0x1bb: {  	[tilespmem:s11+$0xFB00] =	vst v0  }
0x1bc: {  	v0 =	vld [tilespmem:s8+$0xFFFFFFD0]  }
0x1bd: {  	v1 =	vld [tilespmem:s8+$0x10];
	_ =	sdelay $0x4  }
0x1be: {  	v1 =	vsub.f32 v1, v0;
	v3 =	vld [tilespmem:s11+$0x15F10];
	_ =	sdelay $0x1  }
0x1bf: {  	v1 =	vmul.f32 v1, v2;
	_ =	sdelay $0x1  }
0x1c0: {  	v0 =	vadd.f32 v1, v0;
	_ =	sdelay $0x1  }
0x1c1: {  	v0 =	vadd.f32 v0, v3;
	_ =	sdelay $0x1  }
0x1c2: {  	[tilespmem:s11+$0xFB10] =	vst v0  }
0x1c3: {  	v0 =	vld [tilespmem:s8+$0xFFFFFFE0]  }
0x1c4: {  	v1 =	vld [tilespmem:s8+$0x20];
	_ =	sdelay $0x3  }
0x1c5: {  	v3 =	vld [tilespmem:s11+$0x15F20]  }
0x1c6: {  	v1 =	vsub.f32 v1, v0;
	_ =	sdelay $0x1  }
0x1c7: {  	v1 =	vmul.f32 v1, v2;
	_ =	sdelay $0x1  }
0x1c8: {  	v0 =	vadd.f32 v1, v0;
	_ =	sdelay $0x1  }
0x1c9: {  	v0 =	vadd.f32 v0, v3;
	_ =	sdelay $0x1  }
0x1ca: {  	[tilespmem:s11+$0xFB20] =	vst v0  }
0x1cb: {  	v1 =	vld [tilespmem:s8+$0xFFFFFFF0]  }
0x1cc: {  	v3 =	vld [tilespmem:s8+$0x30];
	_ =	sdelay $0x2  }
0x1cd: {  	v0 =	vld [tilespmem:s11+$0x15F30];
	_ =	sdelay $0x1  }
.Ltmp5:
0x1ce: {  	v3 =	vsub.f32 v3, v1;
	(pc) =	sbr.rel @p0 .LBB2_12-.Ltmp5, $3  }
0x1cf: {  	_ = 	snop  }
0x1d0: {  	v2 =	vmul.f32 v3, v2;
	_ =	sdelay $0x1  }
0x1d1: {  	v1 =	vadd.f32 v2, v1  }
0x1d2: {  	_ = 	snop  }
0x1d3: {  	v0 =	vadd.f32 v1, v0;
	_ =	sdelay $0x1  }
0x1d4: {  	s8 =	simm.s32 $0x0;
	s10 =	rddreg [dreg:$0xb];
	[tilespmem:s11+$0xFB30] =	vst v0  }
0x1d5: {  	[hbm4b:s10+s8] =	stream.linear.scatter [tilespmem:s1], [sflag:$0x3], $0x3200, $0x38;
	[tilespmem:$0x19100] =	vst v63  }
0x1d6: {  	_ =	swait.ge [sflag:s25], $0x3200  }
0x1d7: {  	[sflag:s25] =	ssyncset.done $0x0  }
0x1d8: {  	[sflag:s25] =	ssyncadd.s32 $0xFFFFCE00  }
0x1d9: {  	_ =	swait.ge [sflag:s25], $0x3200  }
0x1da: {  	[sflag:s25] =	ssyncset.done $0x0  }
0x1db: {  	[sflag:s25] =	ssyncadd.s32 $0xFFFFCE00  }
0x1dc: {  	_ =	swait.ge [sflag:s25], $0xC80  }
0x1dd: {  	[sflag:s25] =	ssyncset.done $0x0  }
0x1de: {  	[sflag:s25] =	ssyncadd.s32 $0xFFFFF380  }
0x1df: {  	_ =	swait.ge [sflag:s19], $0x3200  }
0x1e0: {  	[sflag:s19] =	ssyncset.done $0x0  }
0x1e1: {  	s8 =	simm.s32 $0x9740;
	[sflag:s19] =	ssyncadd.s32 $0xFFFFCE00  }
0x1e2: {  	v0 =	vld [tilespmem:s8+$0x0]  }
0x1e3: {  	v1 =	vld [tilespmem:s8+$0xFFFFFFC0]  }
0x1e4: {  	s10 =	simm.s32 $0x2680  }
0x1e5: {  	v2 =	vld [tilespmem:s10+$0x0];
	_ =	sdelay $0x2  }
0x1e6: {  	s11 =	simm.s32 $0x0;
	v0 =	vsub.f32 v0, v1  }
0x1e7: {  	v3 =	vld [tilespmem:s11+$0x15F00]  }
0x1e8: {  	v0 =	vmul.f32 v0, v2;
	_ =	sdelay $0x1  }
0x1e9: {  	v0 =	vadd.f32 v0, v1;
	_ =	sdelay $0x1  }
0x1ea: {  	v0 =	vadd.f32 v0, v3;
	_ =	sdelay $0x1  }
0x1eb: {  	[tilespmem:s11+$0x12D00] =	vst v0  }
0x1ec: {  	v0 =	vld [tilespmem:s8+$0xFFFFFFD0]  }
0x1ed: {  	v1 =	vld [tilespmem:s8+$0x10];
	_ =	sdelay $0x4  }
0x1ee: {  	v1 =	vsub.f32 v1, v0  }
0x1ef: {  	v3 =	vld [tilespmem:s11+$0x15F10]  }
0x1f0: {  	v1 =	vmul.f32 v1, v2;
	_ =	sdelay $0x1  }
0x1f1: {  	v0 =	vadd.f32 v1, v0;
	_ =	sdelay $0x1  }
0x1f2: {  	v0 =	vadd.f32 v0, v3;
	_ =	sdelay $0x1  }
0x1f3: {  	[tilespmem:s11+$0x12D10] =	vst v0  }
0x1f4: {  	v0 =	vld [tilespmem:s8+$0xFFFFFFE0]  }
0x1f5: {  	v1 =	vld [tilespmem:s8+$0x20];
	_ =	sdelay $0x4  }
0x1f6: {  	v1 =	vsub.f32 v1, v0  }
0x1f7: {  	v3 =	vld [tilespmem:s11+$0x15F20]  }
0x1f8: {  	v1 =	vmul.f32 v1, v2;
	_ =	sdelay $0x1  }
0x1f9: {  	v0 =	vadd.f32 v1, v0;
	_ =	sdelay $0x1  }
0x1fa: {  	v0 =	vadd.f32 v0, v3;
	_ =	sdelay $0x1  }
0x1fb: {  	[tilespmem:s11+$0x12D20] =	vst v0  }
0x1fc: {  	v1 =	vld [tilespmem:s8+$0xFFFFFFF0]  }
0x1fd: {  	v0 =	vld [tilespmem:s8+$0x30];
	_ =	sdelay $0x4  }
0x1fe: {  	v0 =	vsub.f32 v0, v1;
	_ =	sdelay $0x1  }
0x1ff: {  	v2 =	vmul.f32 v0, v2;
	v0 =	vld [tilespmem:s11+$0x15F30];
	_ =	sdelay $0x2  }
0x200: {  	s12 =	simm.s32 $0x100;
	v1 =	vadd.f32 v2, v1  }
.LBB2_14:
0x201: {  	p0 =	sne.s32 s12, $0xC700;
	s8 =	sadd.s32 $0x80, s8;
	s10 =	sadd.s32 $0x10, s10  }
0x202: {  	s13 =	smov.u32 s12;
	s12 =	sadd.s32 $0x100, s12;
	v0 =	vadd.f32 v1, v0;
	_ =	sdelay $0x1  }
0x203: {  	[tilespmem:s11+$0x12D30] =	vst v0  }
0x204: {  	v0 =	vld [tilespmem:s8+$0x0]  }
0x205: {  	v1 =	vld [tilespmem:s8+$0xFFFFFFC0];
	_ =	sdelay $0x1  }
0x206: {  	v2 =	vld [tilespmem:s10+$0x0];
	_ =	sdelay $0x2  }
0x207: {  	s11 =	sshra.s32 s13, $0x2;
	v0 =	vsub.f32 v0, v1  }
0x208: {  	v3 =	vld [tilespmem:s11+$0x15F00]  }
0x209: {  	v0 =	vmul.f32 v0, v2;
	_ =	sdelay $0x1  }
0x20a: {  	v0 =	vadd.f32 v0, v1;
	_ =	sdelay $0x1  }
0x20b: {  	v0 =	vadd.f32 v0, v3;
	_ =	sdelay $0x1  }
0x20c: {  	[tilespmem:s11+$0x12D00] =	vst v0  }
0x20d: {  	v0 =	vld [tilespmem:s8+$0xFFFFFFD0]  }
0x20e: {  	v1 =	vld [tilespmem:s8+$0x10];
	_ =	sdelay $0x4  }
0x20f: {  	v1 =	vsub.f32 v1, v0;
	v3 =	vld [tilespmem:s11+$0x15F10];
	_ =	sdelay $0x1  }
0x210: {  	v1 =	vmul.f32 v1, v2;
	_ =	sdelay $0x1  }
0x211: {  	v0 =	vadd.f32 v1, v0;
	_ =	sdelay $0x1  }
0x212: {  	v0 =	vadd.f32 v0, v3;
	_ =	sdelay $0x1  }
0x213: {  	[tilespmem:s11+$0x12D10] =	vst v0  }
0x214: {  	v0 =	vld [tilespmem:s8+$0xFFFFFFE0]  }
0x215: {  	v1 =	vld [tilespmem:s8+$0x20];
	_ =	sdelay $0x3  }
0x216: {  	v3 =	vld [tilespmem:s11+$0x15F20]  }
0x217: {  	v1 =	vsub.f32 v1, v0;
	_ =	sdelay $0x1  }
0x218: {  	v1 =	vmul.f32 v1, v2;
	_ =	sdelay $0x1  }
0x219: {  	v0 =	vadd.f32 v1, v0;
	_ =	sdelay $0x1  }
0x21a: {  	v0 =	vadd.f32 v0, v3;
	_ =	sdelay $0x1  }
0x21b: {  	[tilespmem:s11+$0x12D20] =	vst v0  }
0x21c: {  	v1 =	vld [tilespmem:s8+$0xFFFFFFF0]  }
0x21d: {  	v3 =	vld [tilespmem:s8+$0x30];
	_ =	sdelay $0x2  }
0x21e: {  	v0 =	vld [tilespmem:s11+$0x15F30];
	_ =	sdelay $0x1  }
.Ltmp6:
0x21f: {  	v3 =	vsub.f32 v3, v1;
	(pc) =	sbr.rel @p0 .LBB2_14-.Ltmp6, $3  }
0x220: {  	_ = 	snop  }
0x221: {  	v2 =	vmul.f32 v3, v2;
	_ =	sdelay $0x1  }
0x222: {  	v1 =	vadd.f32 v2, v1  }
0x223: {  	_ = 	snop  }
0x224: {  	v0 =	vadd.f32 v1, v0;
	_ =	sdelay $0x1  }
0x225: {  	s7 =	sadd.s32 $0x1, s7;
	[tilespmem:s11+$0x12D30] =	vst v0  }
0x226: {  	[hbm4b:s17+s3] =	stream.linear.scatter [tilespmem:s28], [sflag:$0x4], $0x3200, $0x38;
	[tilespmem:$0x19100] =	vst v63  }
0x227: {  	p0 =	sne.s32 s7, s18;
	_ =	swait.ge [sflag:s0], $0x3200  }
.Ltmp7:
0x228: {  	[sflag:s0] =	ssyncset.done $0x0;
	(pc) =	sbr.rel @p0 .LBB2_1-.Ltmp7, $4  }
0x229: {  	[sflag:s0] =	ssyncadd.s32 $0xFFFFCE00  }
0x22a: {  	_ =	swait.ge [sflag:s19], $0x3200  }
0x22b: {  	[sflag:s19] =	ssyncset.done $0x0  }
0x22c: {  	[sflag:s19] =	ssyncadd.s32 $0xFFFFCE00  }
0x22d: {  	_ =	sfence.sel $0x180000  }
0x22e: {  	[bflag:$0x0] =	sbarrier.arrive $0xFFFF  }
0x22f: {  	_ =	strace $0x90000047  }
0x230: {  	s0 =	stileid.u32;
	[bflag:$0x2] =	sbarrier.arrive $0xFFFF  }
0x231: {  	p0 =	sne.s32 s0, $0x0;
	s0 =	rddreg [dreg:$0x2]  }
0x232: {  	s0 =	sadd.s32 @!p0 $0x100000, s0  }
0x233: {  	[sflag:s0] =	ssyncadd.tile.s32 @!p0 $0x1;
	_ =	shalt  }
.Lfunc_end2:
_tile_overlayer_lowered:
.L_overlay_start_2:
0x234: {  	(tag) =	ssettag $0x2  }
0x235: {  	s0 =	rddreg [dreg:$0x0];
	s2 =	stileid.u32  }
0x236: {  	s1 =	rddreg [dreg:$0x1];
	p0 =	sne.s32 s2, $0x0  }
0x237: {  	s3 =	rddreg [dreg:$0x2];
	[bflag:$0x3] =	sbarrier.arrive $0xFFFF;
	s2 =	simm.s32 @!p0 $0x1C05  }
0x238: {  	[timem:s3], [sflag:s2] =	dma.local @!p0 [hbm:s0], s1  }
0x239: {  	s0 =	simm.s32 @!p0 $0x5  }
0x23a: {  	_ =	swait.ge @!p0 [sflag:s0], s1  }
0x23b: {  	s1 =	ssub.s32 @!p0 $0x0, s1;
	[sflag:s0] =	ssyncset.done @!p0 $0x0  }
0x23c: {  	[sflag:s0] =	ssyncadd.s32 @!p0 s1  }
0x23d: {  	[bflag:$0x3] =	sbarrier.arrive $0xFFFF  }
0x23e: {  	_ =	shalt  }

// kernel: sparse-core-data-format-call.cloned.1.call-start
scs
called_computation_lowered:
.L_overlay_start_0:
0x0: {  	s2 =	sld [smem:$0x3FD9]  }
0x1: {  	s3 =	sld [smem:$0x3FFE];
	_ =	sdelay $0x1  }
0x2: {  	s1 =	srdreg.scid  }
0x3: {  	s0 =	sand.u32 $0x1, s1  }
0x4: {  	s18 =	sshll.u32 s0, $0xA;
	s2 =	sadd.s32 s3, s2  }
0x5: {  	s2 =	sadd.s32 s2, s18  }
0x6: {  	[smem:$0x3FC5] =	sst s2  }
0x7: {  	_ = 	snop  }
0x8: {  	s2 =	sld [smem:$0x3FD0];
	(tm) =	ssettm $0x1  }
0x9: {  	s19 =	sld [smem:$0x3FFB];
	_ =	sdelay $0x3  }
0xa: {  	_ =	strace s19  }
0xb: {  	s3 =	sld [smem:$0x3FFC];
	_ =	sdelay $0x3  }
0xc: {  	_ =	strace s3  }
0xd: {  	s3 =	sld [smem:$0x3FFD];
	_ =	sdelay $0x3  }
0xe: {  	_ =	strace s3  }
0xf: {  	_ =	strace $0x8FFFFFFF  }
0x10: {  	s20 =	sld [smem:$0x3FDB];
	_ =	sdelay $0x1  }
0x11: {  	s4 =	simm.s32 $_scs_section_size  }
0x12: {  	s5 =	simm.s32 $_size__tile_overlayer_lowered;
	s6 =	simm.s32 $_tile_overlayer_lowered  }
0x13: {  	s23 =	simm.s32 $0x1BFF;
	s22 =	sshll.u32 s6, $0x1;
	s3 =	sadd.s32 s4, s20  }
0x14: {  	s7 =	simm.s32 $0x0;
	s21 =	sshll.u32 s5, $0x1;
	s5 =	sadd.s32 s22, s3  }
0x15: {  	[timem:s7], [sflag:s23] =	dma.local [hbm:s5], s21  }
0x16: {  	_ =	swait.ge [sflag:s23], s21  }
0x17: {  	s4 =	ssub.s32 $0x0, s21;
	[sflag:s23] =	ssyncset.done $0x0  }
0x18: {  	[sflag:s23] =	ssyncadd.s32 s4;
	_ =	sdelay $0x1  }
0x19: {  	s24 =	simm.s32 $0x1B8B  }
0x1a: {  	_ =	swait.ge [sflag:s24], $0x1  }
0x1b: {  	[sflag:s24] =	ssyncset.done $0x0  }
0x1c: {  	s26 =	simm.s32 $0x1B8E;
	s25 =	sld [smem:$0x3FFE];
	[sflag:s24] =	ssyncadd.s32 $0xFFFFFFFF  }
0x1d: {  	s27 =	simm.s32 $execute0_lowered;
	[smem:$0x3FD2] =	sst s26  }
0x1e: {  	s5 =	sshll.u32 s27, $0x1;
	_ =	strace $0x80000049;
	[dreg:$0x1] =	wrdreg $0xFFFFFFFF  }
0x1f: {  	s28 =	simm.s32 $_size_execute0_lowered;
	s3 =	sadd.s32 s3, s5;
	[dreg:$0x0] =	wrdreg $0x0  }
0x20: {  	s5 =	sshll.u32 s28, $0x1;
	[dreg:$0x2] =	wrdreg s3  }
0x21: {  	[dreg:$0x3] =	wrdreg s5  }
0x22: {  	[dreg:$0x4] =	wrdreg $0xC0  }
0x23: {  	_ =	task [dreg:s7], $0x5FFFF  }
0x24: {  	[dreg:$0x1] =	wrdreg $0xFFFFFFFF  }
0x25: {  	[dreg:$0x0] =	wrdreg $0x60  }
0x26: {  	[dreg:$0x2] =	wrdreg s25  }
0x27: {  	[dreg:$0x3] =	wrdreg s2  }
0x28: {  	[dreg:$0x4] =	wrdreg $0x9  }
0x29: {  	_ =	task.clear_ibuf [dreg:s7], $0x5FFFF;
	_ =	strace $0x90000049  }
0x2a: {  	s29 =	simm.s32 $0x9;
	_ =	strace $0x8000004B  }
0x2b: {  	_ =	swait.ge [sflag:s29], $0x1  }
0x2c: {  	[sflag:s29] =	ssyncadd.s32 $0xFFFFFFFF  }
0x2d: {  	_ =	strace $0x9000004B  }
0x2e: {  	_ =	sfence  }
0x2f: {  	s30 =	sld [smem:$0x0];
	_ =	sdelay $0x2  }
0x30: {  	s31 =	sshll.u32 s1, $0xD;
	s1 =	sshrl.u32 s1, $0x2  }
0x31: {  	s3 =	sand.u32 $0x4000, s31;
	s1 =	sadd.s32 s1, s30  }
0x32: {  	s0 =	sor.u32 s3, s0;
	s1 =	sshll.u32 s1, $0x11  }
0x33: {  	s0 =	sor.u32 s1, s0  }
0x34: {  	s0 =	sadd.s32 $0x8F2B, s0  }
0x35: {  	[sflag:s0] =	ssyncadd.remote.s32 $0x1  }
0x36: {  	_ =	sfence.sel $0xFFFF  }
0x37: {  	[dreg:$0x0] =	wrdreg $0xFFFFFFFF;
	(pc) =	sbr.abs _section_cstart, $3  }
0x38: {  	[dreg:$0x1] =	wrdreg $0xFFFFFFFF  }
0x39: {  	_ =	task.clear_ibuf [dreg:s7], $0x2FFFF;
	_ =	strace $0x9FFFFFFF  }
0x3a: {  	(tm) =	ssettm $0x7FFFFFFF  }
0x3b: {  	_ =	shalt  }
tec
execute0_lowered:
.L_overlay_start_1:
0x0: {  	(tag) =	ssettag $0x1  }
0x1: {  	s0 =	stileid.u32;
	s6 =	rddreg [dreg:$0x0]  }
0x2: {  	s2 =	rddreg [dreg:$0x1];
	s5 =	srdreg.scid  }
0x3: {  	s31 =	simm.s32 $0x2;
	s13 =	simm.s32 $0x0;
	s1 =	sshll.u32 s0, $0x7  }
0x4: {  	s14 =	simm.s32 $0x0;
	s12 =	simm.s32 $0x0;
	s3 =	sand.u32 $0x380, s1  }
0x5: {  	s5 =	sshll.u32 s5, $0x4;
	s6 =	sadd.s32 $0xC00, s6;
	s4 =	ssub.s32 $0x400, s3  }
0x6: {  	s1 =	rddreg [dreg:$0x2];
	_ =	strace $0x8000004A;
	s7 =	sand.u32 $0x380, s4  }
0x7: {  	s5 =	sand.u32 $0x10, s5;
	p0 =	sne.s32 s7, $0x0;
	s7 =	simm.s32 $0x1  }
.Ltmp0:
0x8: {  	s8 =	sshrl.u32 s4, $0xA;
	s7 =	simm.s32 @!p0 $0x0;
	(pc) =	sbr.rel .LBB1_1-.Ltmp0, $4  }
0x9: {  	s9 =	sor.u32 s0, s5;
	s4 =	simm.s32 $0x1;
	s30 =	sadd.s32 s7, s8  }
0xa: {  	s11 =	smov.u32 s3;
	[sflag:s4] =	ssyncpa.u1 $0x0;
	s5 =	smul.u32 $0x32, s30  }
0xb: {  	[sflag:s31] =	ssyncpa.u1 $0x0;
	p0 =	por $0x0, $0x0;
	s7 =	sshrl.u32 s9, $0x3  }
0xc: {  	s9 =	simm.s32 $0x2000;
	s10 =	smov.u32 s7;
	s8 =	sor.u32 $0x1, s5  }
.LBB1_4:
0xd: {  	s17 =	sand.u32 $0x1F80, s14;
	s13 =	sshll.u32 s13, $0xD  }
0xe: {  	[tilespmem:s16+$0x810 ss:$0x81] =	vst.msk $0xffff, v2;
	s18 =	sshrl.u32 s14, $0x3;
	s31 =	sand.u32 $0x7, s14;
	s17 =	sadd.s32 s2, s17  }
0xf: {  	[tilespmem:s16+$0x1020 ss:$0x81] =	vst.msk $0xffff, v0;
	s18 =	sand.u32 $0xF, s18;
	s14 =	sshll.u32 s31, $0x12;
	s13 =	sadd.s32 s13, s17  }
0x10: {  	[tilespmem:s16+$0x0 ss:$0x81] =	vst.msk $0xffff, v1;
	s14 =	sor.u32 $0x400, s14;
	s13 =	sadd.s32 s18, s13  }
0x11: {  	[hbm4b:s13+s14] =	stream.strided.scatter [tilespmem:s15], [sflag:$0x2], $0x2000, s9, s14, $0x20;
	[tilespmem:$0x8080] =	vst v63  }
.LBB1_5:
0x12: {  	s15 =	sadd.s32 $0x4, s10  }
0x13: {  	s13 =	sadd.s32 $0x400, s11;
	s17 =	smov.u32 s11;
	p2 =	sgt.s32 s15, $0xC7  }
0x14: {  	s17 =	smov.u32 @p2 s13  }
0x15: {  	s15 =	smov.u32 @p2 s7;
	p2 =	sgt.s32 s17, $0x3FF  }
0x16: {  	s17 =	smov.u32 @p2 s3;
	p2 =	sne.s32 s12, s8  }
.Ltmp1:
0x17: {  	p1 =	slt.u32 s12, $0x2;
	(pc) =	sbr.rel @!p2 .LBB1_6-.Ltmp1, $4  }
0x18: {  	s16 =	simm.s32 @!p1 $0x2  }
0x19: {  	s14 =	smov.u32 s11;
	p0 =	por !p0, !p0;
	_ =	swait.ge @!p1 [sflag:s16], $0x2000  }
0x1a: {  	s13 =	smov.u32 s10;
	[sflag:s16] =	ssyncset.done @!p1 $0x0;
	s10 =	smov.u32 s15  }
0x1b: {  	s12 =	sadd.s32 $0x1, s12;
	[sflag:s16] =	ssyncadd.s32 @!p1 $0xFFFFE000;
	s11 =	smov.u32 s17  }
.LBB1_1:
0x1c: {  	p1 =	sge.u32 s12, s5  }
0x1d: {  	s15 =	sand.u32 @!p1 $0x1FFFFFF, s10  }
0x1e: {  	s16 =	smulhi.u32 @!p1 $0x147AE15, s15;
	_ =	sdelay $0x1  }
0x1f: {  	s16 =	smul.u32 @!p1 $0xC8, s16  }
0x20: {  	s17 =	sxor.u32 @!p1 $0xFFFFFFFF, s12;
	s18 =	smul.u32 @!p1 $0xC80, s11  }
0x21: {  	s31 =	sadd.s32 $0xFFFFFFFF, s12;
	s17 =	sshll.u32 @!p1 s17, $0xD;
	s15 =	ssub.s32 @!p1 s15, s16  }
0x22: {  	s16 =	sand.u32 @!p1 $0x2000, s17;
	s17 =	sadd.s32 @!p1 s6, s18;
	s15 =	sshll.u32 @!p1 s15, $0x4  }
0x23: {  	s18 =	simm.s32 @!p1 $0x6400;
	s15 =	sadd.s32 @!p1 s15, s17;
	s17 =	simm.s32 @!p1 $0x40  }
0x24: {  	[tilespmem:s16], [sflag:$0x1] =	stream.strided.gather @!p1 [hbm4b:s15+s17], $0x2000, s18, s17, $0x38;
	[tilespmem:$0x8080] =	vst v63  }
0x25: {  	p1 =	sge.u32 s31, s5  }
.Ltmp2:
0x26: {  	_ = 	snop;
	(pc) =	sbr.rel @p1 .LBB1_5-.Ltmp2, $1  }
0x27: {  	_ =	sdelay $0x3  }
0x28: {  	s15 =	simm.s32 $0x1  }
0x29: {  	_ =	swait.ge [sflag:s4], $0x2000;
	s15 =	simm.s32 @!p0 $0x0  }
0x2a: {  	[sflag:s4] =	ssyncset.done $0x0;
	s16 =	sshll.u32 s15, $0xD  }
0x2b: {  	[sflag:s4] =	ssyncadd.s32 $0xFFFFE000;
	s19 =	sor.u32 $0x20, s16  }
0x2c: {  	s15 =	smul.u32 $0x8100, s15;
	v3 =	vld [tilespmem:s19+$0x10]  }
0x2d: {  	s30 =	sand.u32 $0x1, s12;
	v2 =	vld [tilespmem:s19+$0xFFFFFFF0]  }
0x2e: {  	s16 =	smul.u32 $0x8100, s30;
	s15 =	sshrl.u32 s15, $0x2;
	v0 =	vld [tilespmem:s19+$0x0]  }
0x2f: {  	v1 =	vld [tilespmem:s19+$0xFFFFFFE0];
	s17 =	sor.u32 $0x4000, s15  }
0x30: {  	s31 =	sshrl.u32 s16, $0x2;
	s16 =	sadd.s32 $0x0, s17  }
0x31: {  	s18 =	simm.s32 $0x4;
	s19 =	sadd.s32 $0x40, s19;
	s15 =	sor.u32 $0x4000, s31;
	[tilespmem:s16+$0x1830 ss:$0x81] =	vst.msk $0xffff, v3  }
.LBB1_3:
0x32: {  	v3 =	vld [tilespmem:s19+$0x10];
	p1 =	sne.s32 s18, $0x1FC;
	[tilespmem:s16+$0x810 ss:$0x81] =	vst.msk $0xffff, v2;
	s20 =	smov.u32 s18;
	s18 =	sadd.s32 $0x4, s18  }
.Ltmp3:
0x33: {  	v2 =	vld [tilespmem:s19+$0xFFFFFFF0];
	[tilespmem:s16+$0x1020 ss:$0x81] =	vst.msk $0xffff, v0;
	(pc) =	sbr.rel @p1 .LBB1_3-.Ltmp3, $4  }
0x34: {  	v0 =	vld [tilespmem:s19+$0x0];
	[tilespmem:s16+$0x0 ss:$0x81] =	vst.msk $0xffff, v1  }
0x35: {  	s16 =	sshra.s32 s20, $0x2;
	v1 =	vld [tilespmem:s19+$0xFFFFFFE0]  }
0x36: {  	s16 =	sadd.s32 s16, s17  }
0x37: {  	s19 =	sadd.s32 $0x40, s19;
	[tilespmem:s16+$0x1830 ss:$0x81] =	vst.msk $0xffff, v3  }
.Ltmp4:
0x38: {  	_ = 	snop;
	(pc) =	sbr.rel .LBB1_4-.Ltmp4, $1  }
0x39: {  	_ =	sdelay $0x3  }
.LBB1_6:
0x3a: {  	_ =	sfence.sel $0x180000  }
0x3b: {  	s2 =	simm.s32 $0x1;
	[bflag:$0x0] =	sbarrier.arrive $0xFFFF  }
0x3c: {  	s31 =	simm.s32 $0x2;
	[sflag:s2] =	ssyncpa.u1 $0x1  }
0x3d: {  	[sflag:s31] =	ssyncpa.u1 $0x1  }
0x3e: {  	p0 =	sne.s32 s0, $0x0;
	_ =	strace $0x9000004A  }
0x3f: {  	s0 =	sadd.s32 @!p0 $0x100000, s1;
	[bflag:$0x2] =	sbarrier.arrive $0xFFFF  }
0x40: {  	[sflag:s0] =	ssyncadd.tile.s32 @!p0 $0x1;
	_ =	shalt  }
.Lfunc_end1:
_tile_overlayer_lowered:
.L_overlay_start_2:
0x41: {  	(tag) =	ssettag $0x2  }
0x42: {  	s0 =	rddreg [dreg:$0x0];
	s2 =	stileid.u32  }
0x43: {  	s1 =	rddreg [dreg:$0x1];
	p0 =	sne.s32 s2, $0x0  }
0x44: {  	s3 =	rddreg [dreg:$0x2];
	[bflag:$0x3] =	sbarrier.arrive $0xFFFF;
	s2 =	simm.s32 @!p0 $0x1C01  }
0x45: {  	[timem:s3], [sflag:s2] =	dma.local @!p0 [hbm:s0], s1  }
0x46: {  	s0 =	simm.s32 @!p0 $0x1  }
0x47: {  	_ =	swait.ge @!p0 [sflag:s0], s1  }
0x48: {  	s1 =	ssub.s32 @!p0 $0x0, s1;
	[sflag:s0] =	ssyncset.done @!p0 $0x0  }
0x49: {  	[sflag:s0] =	ssyncadd.s32 @!p0 s1  }
0x4a: {  	[bflag:$0x3] =	sbarrier.arrive $0xFFFF  }
0x4b: {  	_ =	shalt  }

</sc_bundles>
